<compile_context>
chip_gen: v7x
topology: tpu7x:2x2x1
jax: 0.10.2.dev20260603
libtpu: 0.0.44.dev20260713+nightly
codegen_flags: <defaults>
</compile_context>

<pallas_src>
import functools

import jax
import jax.numpy as jnp
from jax import lax
from jax.experimental import pallas as pl
from jax.experimental.pallas import tpu as pltpu
from jax.experimental.pallas import tpu_sc as plsc

_USR_DIM = 128
_PRD_DIM = 64
_B = 4096
_NSLOT = 8


@functools.cache
def _build():
    info = plsc.get_sparse_core_info()
    nc, ns = info.num_cores, info.num_subcores
    nw = nc * ns
    bpw = _B // nw

    mesh = plsc.VectorSubcoreMesh(core_axis_name="c", subcore_axis_name="s")

    @functools.partial(
        pl.kernel,
        mesh=mesh,
        out_type=[
            jax.ShapeDtypeStruct((_B, _USR_DIM), jnp.float32),
            jax.ShapeDtypeStruct((_PRD_DIM, _B), jnp.float32),
        ],
        scratch_types=[
            pltpu.VMEM((bpw,), jnp.int32),
            pltpu.VMEM((bpw, _USR_DIM), jnp.float32),
            pltpu.VMEM((bpw,), jnp.int32),
            [pltpu.VMEM((_PRD_DIM, 128), jnp.float32) for _ in range(_NSLOT)],
            pltpu.VMEM((_PRD_DIM, bpw), jnp.float32),
            pltpu.SemaphoreType.DMA,
            [pltpu.SemaphoreType.DMA for _ in range(_NSLOT)],
        ],
        compiler_params=pltpu.CompilerParams(disable_bounds_checks=True,
                                             needs_layout_passes=False,
                                             skip_device_barrier=True),
    )
    def gather_kernel(uids_hbm, iids_hbm, utab_hbm, itabT_hbm,
                      uout_hbm, ioutT_hbm,
                      uidx_v, urows_v, iidx_v, blks, ioutT_v, usem, isems):
        wid = lax.axis_index("s") * nc + lax.axis_index("c")
        base = wid * bpw
        pltpu.sync_copy(uids_hbm.at[pl.ds(base, bpw)], uidx_v)
        pltpu.sync_copy(iids_hbm.at[pl.ds(base, bpw)], iidx_v)
        ucp = pltpu.async_copy(utab_hbm.at[uidx_v], urows_v, usem)

        iota = lax.iota(jnp.int32, 16)
        rowv = [iota + 16 * k for k in range(_PRD_DIM // 16)]

        def issue(v, s):
            col0 = pl.multiple_of(v - (v & 127), 128)
            pltpu.async_copy(itabT_hbm.at[:, pl.ds(col0, 128)],
                             blks[s], isems[s])

        def select(v, s, r):
            pltpu.make_async_copy(itabT_hbm.at[:, pl.ds(0, 128)],
                                  blks[s], isems[s]).wait()
            colv = jnp.full((16,), v & 127, jnp.int32)
            rv = jnp.full((16,), r, jnp.int32)
            for k in range(_PRD_DIM // 16):
                vals = plsc.load_gather(blks[s], [rowv[k], colv])
                plsc.store_scatter(ioutT_v, [rowv[k], rv], vals)

        v0 = iidx_v[pl.ds(0, 16)]
        for l in range(_NSLOT):
            issue(v0[l], l)

        def chunk_body(j, carry):
            v = iidx_v[pl.ds(j * 16, 16)]
            r0 = j * 16
            for l in range(8):
                select(v[l], l, r0 + l)
                issue(v[l + 8], l)

            @pl.when(j < bpw // 16 - 1)
            def _():
                vn = iidx_v[pl.ds((j + 1) * 16, 16)]
                for l in range(8):
                    select(v[l + 8], l, r0 + l + 8)
                    issue(vn[l], l)

            @pl.when(j == bpw // 16 - 1)
            def _():
                for l in range(8):
                    select(v[l + 8], l, r0 + l + 8)

            return carry

        lax.fori_loop(0, bpw // 16, chunk_body, 0)
        ucp.wait()
        pltpu.sync_copy(urows_v, uout_hbm.at[pl.ds(base, bpw)])
        pltpu.sync_copy(ioutT_v, ioutT_hbm.at[:, pl.ds(base, bpw)])

    return gather_kernel


def kernel(user_ids, item_ids, user_table, item_table):
    fn = _build()
    u, ioT = fn(user_ids.astype(jnp.int32), item_ids.astype(jnp.int32),
                user_table, item_table.T)
    return u[:, None, :], ioT.T[:, None, :]

# --- scband reference (transcript-rebuilt; emitter-appended) ---
"""Pipeline reference for scband-user-item-embeddings-1614907703454 (READ-ONLY COPY).

The authoritative reference and input builder live on the scoring server;
editing this copy changes nothing except your own understanding.
"""

import jax, jax.numpy as jnp
import numpy as np

USR_SIZE = 100000
USR_DIM = 128
PRD_SIZE = 1000000
PRD_DIM = 64
B = 4096


def setup_inputs(seed: int = 0) -> dict:
    key = jax.random.key(seed)
    k1, k2, k3, k4 = jax.random.split(key, 4)
    user_ids = jax.random.randint(k1, (B,), 0, USR_SIZE)
    item_ids = jax.random.randint(k2, (B,), 0, PRD_SIZE)
    # Learned parameters (embedding tables). Original module zero-inits; we use
    # small random values so the computation is non-degenerate for benchmarking.
    user_table = jax.random.normal(k3, (USR_SIZE, USR_DIM), dtype=jnp.float32) * 0.02
    item_table = jax.random.normal(k4, (PRD_SIZE, PRD_DIM), dtype=jnp.float32) * 0.02
    return {
        "user_ids": user_ids,
        "item_ids": item_ids,
        "user_table": user_table,
        "item_table": item_table,
    }


def reference(user_ids, item_ids, user_table, item_table):
    # Faithful translation of UserItemEmbeddings.forward
    if user_ids.ndim == 1:
        user_ids = user_ids[:, None]
        item_ids = item_ids[:, None]
    user_emb = jnp.take(user_table, user_ids, axis=0)  # [B, 1, USR_DIM]
    item_emb = jnp.take(item_table, item_ids, axis=0)  # [B, 1, PRD_DIM]
    return (user_emb, item_emb)

if __name__ == "__main__":
    import jax
    _d = setup_inputs()
    print(jax.jit(kernel)(*tuple(_d.values())))

</pallas_src>

<mosaic_0001>
#map = affine_map<(d0, d1) -> (0)>
#map1 = affine_map<(d0, d1) -> (0, 0)>
module attributes {stable_mosaic.version = 14 : i64} {
  func.func @gather_kernel(%arg0: i32, %arg1: i32, %arg2: memref<4096xi32, #tpu.memory_space<hbm>>, %arg3: memref<4096xi32, #tpu.memory_space<hbm>>, %arg4: memref<100000x128xf32, #tpu.memory_space<hbm>>, %arg5: memref<64x1000000xf32, #tpu.memory_space<hbm>>, %arg6: memref<4096x128xf32, #tpu.memory_space<hbm>>, %arg7: memref<64x4096xf32, #tpu.memory_space<hbm>>, %arg8: memref<128xi32, #tpu.memory_space<vmem>>, %arg9: memref<128x128xf32, #tpu.memory_space<vmem>>, %arg10: memref<128xi32, #tpu.memory_space<vmem>>, %arg11: memref<64x128xf32, #tpu.memory_space<vmem>>, %arg12: memref<64x128xf32, #tpu.memory_space<vmem>>, %arg13: memref<64x128xf32, #tpu.memory_space<vmem>>, %arg14: memref<64x128xf32, #tpu.memory_space<vmem>>, %arg15: memref<64x128xf32, #tpu.memory_space<vmem>>, %arg16: memref<64x128xf32, #tpu.memory_space<vmem>>, %arg17: memref<64x128xf32, #tpu.memory_space<vmem>>, %arg18: memref<64x128xf32, #tpu.memory_space<vmem>>, %arg19: memref<64x128xf32, #tpu.memory_space<vmem>>, %arg20: memref<!tpu.dma_semaphore, #tpu.memory_space<semaphore_mem>>, %arg21: memref<!tpu.dma_semaphore, #tpu.memory_space<semaphore_mem>>, %arg22: memref<!tpu.dma_semaphore, #tpu.memory_space<semaphore_mem>>, %arg23: memref<!tpu.dma_semaphore, #tpu.memory_space<semaphore_mem>>, %arg24: memref<!tpu.dma_semaphore, #tpu.memory_space<semaphore_mem>>, %arg25: memref<!tpu.dma_semaphore, #tpu.memory_space<semaphore_mem>>, %arg26: memref<!tpu.dma_semaphore, #tpu.memory_space<semaphore_mem>>, %arg27: memref<!tpu.dma_semaphore, #tpu.memory_space<semaphore_mem>>, %arg28: memref<!tpu.dma_semaphore, #tpu.memory_space<semaphore_mem>>) attributes {dimension_semantics = [#tpu.dimension_semantics<core_parallel>, #tpu.dimension_semantics<subcore_parallel>], iteration_bounds = array<i64: 2, 16>, scalar_prefetch = 0 : i64, scratch_operands = 21 : i64, tpu.core_type = #tpu.core_type<sc_vector_subcore>, window_params = [{transform_indices = #map}, {transform_indices = #map}, {transform_indices = #map1}, {transform_indices = #map1}, {transform_indices = #map1}, {transform_indices = #map1}]} {
    %mul3A = arith.constant 2 : i32
    %mul3A_0 = arith.muli %arg1, %mul3A : i32
    %add3A = arith.addi %mul3A_0, %arg0 : i32
    %mul3A_1 = arith.constant 128 : i32
    %mul3A_2 = arith.muli %add3A, %mul3A_1 : i32
    "tpu.region"() ({
      %run_scoped3A = tpu.sem_alloc : memref<!tpu.dma_semaphore, #tpu.memory_space<semaphore_mem>>
      %dma_start3A_100 = tpu.memref_slice %arg2[%mul3A_2] : memref<4096xi32, #tpu.memory_space<hbm>> -> memref<128xi32, #tpu.memory_space<hbm>>
      %dma_start3A_101 = tpu.memref_slice %arg2[%mul3A_2] : memref<4096xi32, #tpu.memory_space<hbm>> -> memref<128xi32, #tpu.memory_space<hbm>>
      tpu.enqueue_dma source(%dma_start3A_101 : memref<128xi32, #tpu.memory_space<hbm>>) target(%arg8 : memref<128xi32, #tpu.memory_space<vmem>>) target_semaphore(%run_scoped3A : memref<!tpu.dma_semaphore, #tpu.memory_space<semaphore_mem>>)
      %dma_wait3A_102 = tpu.memref_slice %arg2[%mul3A_2] : memref<4096xi32, #tpu.memory_space<hbm>> -> memref<128xi32, #tpu.memory_space<hbm>>
      %dma_wait3A_103 = tpu.memref_slice %arg2[%mul3A_2] : memref<4096xi32, #tpu.memory_space<hbm>> -> memref<128xi32, #tpu.memory_space<hbm>>
      tpu.wait_dma2 semaphore(%run_scoped3A : memref<!tpu.dma_semaphore, #tpu.memory_space<semaphore_mem>>) src(%dma_wait3A_103 : memref<128xi32, #tpu.memory_space<hbm>>) dst(%arg8 : memref<128xi32, #tpu.memory_space<vmem>>)
      tpu.yield
    }) : () -> ()
    "tpu.region"() ({
      %run_scoped3A = tpu.sem_alloc : memref<!tpu.dma_semaphore, #tpu.memory_space<semaphore_mem>>
      %dma_start3A_100 = tpu.memref_slice %arg3[%mul3A_2] : memref<4096xi32, #tpu.memory_space<hbm>> -> memref<128xi32, #tpu.memory_space<hbm>>
      %dma_start3A_101 = tpu.memref_slice %arg3[%mul3A_2] : memref<4096xi32, #tpu.memory_space<hbm>> -> memref<128xi32, #tpu.memory_space<hbm>>
      tpu.enqueue_dma source(%dma_start3A_101 : memref<128xi32, #tpu.memory_space<hbm>>) target(%arg10 : memref<128xi32, #tpu.memory_space<vmem>>) target_semaphore(%run_scoped3A : memref<!tpu.dma_semaphore, #tpu.memory_space<semaphore_mem>>)
      %dma_wait3A_102 = tpu.memref_slice %arg3[%mul3A_2] : memref<4096xi32, #tpu.memory_space<hbm>> -> memref<128xi32, #tpu.memory_space<hbm>>
      %dma_wait3A_103 = tpu.memref_slice %arg3[%mul3A_2] : memref<4096xi32, #tpu.memory_space<hbm>> -> memref<128xi32, #tpu.memory_space<hbm>>
      tpu.wait_dma2 semaphore(%run_scoped3A : memref<!tpu.dma_semaphore, #tpu.memory_space<semaphore_mem>>) src(%dma_wait3A_103 : memref<128xi32, #tpu.memory_space<hbm>>) dst(%arg10 : memref<128xi32, #tpu.memory_space<vmem>>)
      tpu.yield
    }) : () -> ()
    %dma_start3A = arith.constant 0 : i32
    %dma_start3A_3 = arith.constant 0 : i32
    %dma_start3A_4 = tpu.memref_slice %arg4[%dma_start3A, %dma_start3A_3] : memref<100000x128xf32, #tpu.memory_space<hbm>> -> memref<100000x128xf32, #tpu.memory_space<hbm>>
    tpu.enqueue_indirect_dma source(%dma_start3A_4 : memref<100000x128xf32, #tpu.memory_space<hbm>>) target(%arg9 : memref<128x128xf32, #tpu.memory_space<vmem>>) offsets(%arg8 : memref<128xi32, #tpu.memory_space<vmem>>) semaphore(%arg20 : memref<!tpu.dma_semaphore, #tpu.memory_space<semaphore_mem>>)
    %iota3A = tpu.iota {dimensions = array<i32: 0>} : vector<16xi32>
    %add3A_5 = arith.constant 0 : i32
    %add3A_6 = vector.broadcast %add3A_5 : i32 to vector<16xi32>
    %add3A_7 = arith.addi %iota3A, %add3A_6 : vector<16xi32>
    %add3A_8 = arith.constant 16 : i32
    %add3A_9 = vector.broadcast %add3A_8 : i32 to vector<16xi32>
    %add3A_10 = arith.addi %iota3A, %add3A_9 : vector<16xi32>
    %add3A_11 = arith.constant 32 : i32
    %add3A_12 = vector.broadcast %add3A_11 : i32 to vector<16xi32>
    %add3A_13 = arith.addi %iota3A, %add3A_12 : vector<16xi32>
    %add3A_14 = arith.constant 48 : i32
    %add3A_15 = vector.broadcast %add3A_14 : i32 to vector<16xi32>
    %add3A_16 = arith.addi %iota3A, %add3A_15 : vector<16xi32>
    %get3A = arith.constant 0 : index
    %get3A_17 = tpu.vector_load %arg10[%get3A] {strides = array<i32>} : memref<128xi32, #tpu.memory_space<vmem>>, vector<16xi32>,
    %slice3A = vector.extract_strided_slice %get3A_17 {offsets = [0], sizes = [1], strides = [1]} : vector<16xi32> to vector<1xi32>
    %squeeze3A = vector.extract %slice3A[0] : i32 from vector<1xi32>
    %and3A = arith.constant 127 : i32
    %and3A_18 = arith.andi %squeeze3A, %and3A : i32
    %sub3A = arith.subi %squeeze3A, %and3A_18 : i32
    %multiple_of3A = tpu.assume_multiple %sub3A, 128 : i32
    %dma_start3A_19 = arith.constant 0 : i32
    %dma_start3A_20 = tpu.memref_slice %arg5[%dma_start3A_19, %multiple_of3A] : memref<64x1000000xf32, #tpu.memory_space<hbm>> -> memref<64x128xf32, #tpu.memory_space<hbm>>
    %dma_start3A_21 = arith.constant 0 : i32
    %dma_start3A_22 = tpu.memref_slice %arg5[%dma_start3A_21, %multiple_of3A] : memref<64x1000000xf32, #tpu.memory_space<hbm>> -> memref<64x128xf32, #tpu.memory_space<hbm>>
    tpu.enqueue_dma source(%dma_start3A_22 : memref<64x128xf32, #tpu.memory_space<hbm>>) target(%arg11 : memref<64x128xf32, #tpu.memory_space<vmem>>) target_semaphore(%arg21 : memref<!tpu.dma_semaphore, #tpu.memory_space<semaphore_mem>>)
    %slice3A_23 = vector.extract_strided_slice %get3A_17 {offsets = [1], sizes = [1], strides = [1]} : vector<16xi32> to vector<1xi32>
    %squeeze3A_24 = vector.extract %slice3A_23[0] : i32 from vector<1xi32>
    %and3A_25 = arith.constant 127 : i32
    %and3A_26 = arith.andi %squeeze3A_24, %and3A_25 : i32
    %sub3A_27 = arith.subi %squeeze3A_24, %and3A_26 : i32
    %multiple_of3A_28 = tpu.assume_multiple %sub3A_27, 128 : i32
    %dma_start3A_29 = arith.constant 0 : i32
    %dma_start3A_30 = tpu.memref_slice %arg5[%dma_start3A_29, %multiple_of3A_28] : memref<64x1000000xf32, #tpu.memory_space<hbm>> -> memref<64x128xf32, #tpu.memory_space<hbm>>
    %dma_start3A_31 = arith.constant 0 : i32
    %dma_start3A_32 = tpu.memref_slice %arg5[%dma_start3A_31, %multiple_of3A_28] : memref<64x1000000xf32, #tpu.memory_space<hbm>> -> memref<64x128xf32, #tpu.memory_space<hbm>>
    tpu.enqueue_dma source(%dma_start3A_32 : memref<64x128xf32, #tpu.memory_space<hbm>>) target(%arg12 : memref<64x128xf32, #tpu.memory_space<vmem>>) target_semaphore(%arg22 : memref<!tpu.dma_semaphore, #tpu.memory_space<semaphore_mem>>)
    %slice3A_33 = vector.extract_strided_slice %get3A_17 {offsets = [2], sizes = [1], strides = [1]} : vector<16xi32> to vector<1xi32>
    %squeeze3A_34 = vector.extract %slice3A_33[0] : i32 from vector<1xi32>
    %and3A_35 = arith.constant 127 : i32
    %and3A_36 = arith.andi %squeeze3A_34, %and3A_35 : i32
    %sub3A_37 = arith.subi %squeeze3A_34, %and3A_36 : i32
    %multiple_of3A_38 = tpu.assume_multiple %sub3A_37, 128 : i32
    %dma_start3A_39 = arith.constant 0 : i32
    %dma_start3A_40 = tpu.memref_slice %arg5[%dma_start3A_39, %multiple_of3A_38] : memref<64x1000000xf32, #tpu.memory_space<hbm>> -> memref<64x128xf32, #tpu.memory_space<hbm>>
    %dma_start3A_41 = arith.constant 0 : i32
    %dma_start3A_42 = tpu.memref_slice %arg5[%dma_start3A_41, %multiple_of3A_38] : memref<64x1000000xf32, #tpu.memory_space<hbm>> -> memref<64x128xf32, #tpu.memory_space<hbm>>
    tpu.enqueue_dma source(%dma_start3A_42 : memref<64x128xf32, #tpu.memory_space<hbm>>) target(%arg13 : memref<64x128xf32, #tpu.memory_space<vmem>>) target_semaphore(%arg23 : memref<!tpu.dma_semaphore, #tpu.memory_space<semaphore_mem>>)
    %slice3A_43 = vector.extract_strided_slice %get3A_17 {offsets = [3], sizes = [1], strides = [1]} : vector<16xi32> to vector<1xi32>
    %squeeze3A_44 = vector.extract %slice3A_43[0] : i32 from vector<1xi32>
    %and3A_45 = arith.constant 127 : i32
    %and3A_46 = arith.andi %squeeze3A_44, %and3A_45 : i32
    %sub3A_47 = arith.subi %squeeze3A_44, %and3A_46 : i32
    %multiple_of3A_48 = tpu.assume_multiple %sub3A_47, 128 : i32
    %dma_start3A_49 = arith.constant 0 : i32
    %dma_start3A_50 = tpu.memref_slice %arg5[%dma_start3A_49, %multiple_of3A_48] : memref<64x1000000xf32, #tpu.memory_space<hbm>> -> memref<64x128xf32, #tpu.memory_space<hbm>>
    %dma_start3A_51 = arith.constant 0 : i32
    %dma_start3A_52 = tpu.memref_slice %arg5[%dma_start3A_51, %multiple_of3A_48] : memref<64x1000000xf32, #tpu.memory_space<hbm>> -> memref<64x128xf32, #tpu.memory_space<hbm>>
    tpu.enqueue_dma source(%dma_start3A_52 : memref<64x128xf32, #tpu.memory_space<hbm>>) target(%arg14 : memref<64x128xf32, #tpu.memory_space<vmem>>) target_semaphore(%arg24 : memref<!tpu.dma_semaphore, #tpu.memory_space<semaphore_mem>>)
    %slice3A_53 = vector.extract_strided_slice %get3A_17 {offsets = [4], sizes = [1], strides = [1]} : vector<16xi32> to vector<1xi32>
    %squeeze3A_54 = vector.extract %slice3A_53[0] : i32 from vector<1xi32>
    %and3A_55 = arith.constant 127 : i32
    %and3A_56 = arith.andi %squeeze3A_54, %and3A_55 : i32
    %sub3A_57 = arith.subi %squeeze3A_54, %and3A_56 : i32
    %multiple_of3A_58 = tpu.assume_multiple %sub3A_57, 128 : i32
    %dma_start3A_59 = arith.constant 0 : i32
    %dma_start3A_60 = tpu.memref_slice %arg5[%dma_start3A_59, %multiple_of3A_58] : memref<64x1000000xf32, #tpu.memory_space<hbm>> -> memref<64x128xf32, #tpu.memory_space<hbm>>
    %dma_start3A_61 = arith.constant 0 : i32
    %dma_start3A_62 = tpu.memref_slice %arg5[%dma_start3A_61, %multiple_of3A_58] : memref<64x1000000xf32, #tpu.memory_space<hbm>> -> memref<64x128xf32, #tpu.memory_space<hbm>>
    tpu.enqueue_dma source(%dma_start3A_62 : memref<64x128xf32, #tpu.memory_space<hbm>>) target(%arg15 : memref<64x128xf32, #tpu.memory_space<vmem>>) target_semaphore(%arg25 : memref<!tpu.dma_semaphore, #tpu.memory_space<semaphore_mem>>)
    %slice3A_63 = vector.extract_strided_slice %get3A_17 {offsets = [5], sizes = [1], strides = [1]} : vector<16xi32> to vector<1xi32>
    %squeeze3A_64 = vector.extract %slice3A_63[0] : i32 from vector<1xi32>
    %and3A_65 = arith.constant 127 : i32
    %and3A_66 = arith.andi %squeeze3A_64, %and3A_65 : i32
    %sub3A_67 = arith.subi %squeeze3A_64, %and3A_66 : i32
    %multiple_of3A_68 = tpu.assume_multiple %sub3A_67, 128 : i32
    %dma_start3A_69 = arith.constant 0 : i32
    %dma_start3A_70 = tpu.memref_slice %arg5[%dma_start3A_69, %multiple_of3A_68] : memref<64x1000000xf32, #tpu.memory_space<hbm>> -> memref<64x128xf32, #tpu.memory_space<hbm>>
    %dma_start3A_71 = arith.constant 0 : i32
    %dma_start3A_72 = tpu.memref_slice %arg5[%dma_start3A_71, %multiple_of3A_68] : memref<64x1000000xf32, #tpu.memory_space<hbm>> -> memref<64x128xf32, #tpu.memory_space<hbm>>
    tpu.enqueue_dma source(%dma_start3A_72 : memref<64x128xf32, #tpu.memory_space<hbm>>) target(%arg16 : memref<64x128xf32, #tpu.memory_space<vmem>>) target_semaphore(%arg26 : memref<!tpu.dma_semaphore, #tpu.memory_space<semaphore_mem>>)
    %slice3A_73 = vector.extract_strided_slice %get3A_17 {offsets = [6], sizes = [1], strides = [1]} : vector<16xi32> to vector<1xi32>
    %squeeze3A_74 = vector.extract %slice3A_73[0] : i32 from vector<1xi32>
    %and3A_75 = arith.constant 127 : i32
    %and3A_76 = arith.andi %squeeze3A_74, %and3A_75 : i32
    %sub3A_77 = arith.subi %squeeze3A_74, %and3A_76 : i32
    %multiple_of3A_78 = tpu.assume_multiple %sub3A_77, 128 : i32
    %dma_start3A_79 = arith.constant 0 : i32
    %dma_start3A_80 = tpu.memref_slice %arg5[%dma_start3A_79, %multiple_of3A_78] : memref<64x1000000xf32, #tpu.memory_space<hbm>> -> memref<64x128xf32, #tpu.memory_space<hbm>>
    %dma_start3A_81 = arith.constant 0 : i32
    %dma_start3A_82 = tpu.memref_slice %arg5[%dma_start3A_81, %multiple_of3A_78] : memref<64x1000000xf32, #tpu.memory_space<hbm>> -> memref<64x128xf32, #tpu.memory_space<hbm>>
    tpu.enqueue_dma source(%dma_start3A_82 : memref<64x128xf32, #tpu.memory_space<hbm>>) target(%arg17 : memref<64x128xf32, #tpu.memory_space<vmem>>) target_semaphore(%arg27 : memref<!tpu.dma_semaphore, #tpu.memory_space<semaphore_mem>>)
    %slice3A_83 = vector.extract_strided_slice %get3A_17 {offsets = [7], sizes = [1], strides = [1]} : vector<16xi32> to vector<1xi32>
    %squeeze3A_84 = vector.extract %slice3A_83[0] : i32 from vector<1xi32>
    %and3A_85 = arith.constant 127 : i32
    %and3A_86 = arith.andi %squeeze3A_84, %and3A_85 : i32
    %sub3A_87 = arith.subi %squeeze3A_84, %and3A_86 : i32
    %multiple_of3A_88 = tpu.assume_multiple %sub3A_87, 128 : i32
    %dma_start3A_89 = arith.constant 0 : i32
    %dma_start3A_90 = tpu.memref_slice %arg5[%dma_start3A_89, %multiple_of3A_88] : memref<64x1000000xf32, #tpu.memory_space<hbm>> -> memref<64x128xf32, #tpu.memory_space<hbm>>
    %dma_start3A_91 = arith.constant 0 : i32
    %dma_start3A_92 = tpu.memref_slice %arg5[%dma_start3A_91, %multiple_of3A_88] : memref<64x1000000xf32, #tpu.memory_space<hbm>> -> memref<64x128xf32, #tpu.memory_space<hbm>>
    tpu.enqueue_dma source(%dma_start3A_92 : memref<64x128xf32, #tpu.memory_space<hbm>>) target(%arg18 : memref<64x128xf32, #tpu.memory_space<vmem>>) target_semaphore(%arg28 : memref<!tpu.dma_semaphore, #tpu.memory_space<semaphore_mem>>)
    %scan3A = arith.constant 0 : i32
    %scan3A_93 = arith.constant 0 : i32
    %scan3A_94 = arith.constant 8 : i32
    %scan3A_95 = arith.addi %scan3A_93, %scan3A_94 : i32
    %scan3A_96 = arith.constant 1 : i32
    scf.for %scan3A_100 = %scan3A_93 to %scan3A_95 step %scan3A_96  : i32 {
      %mul3A_101 = arith.constant 16 : i32
      %mul3A_102 = arith.muli %scan3A_100, %mul3A_101 : i32
      %get3A_103 = arith.index_cast %mul3A_102 : i32 to index
      %get3A_104 = tpu.vector_load %arg10[%get3A_103] {strides = array<i32>} : memref<128xi32, #tpu.memory_space<vmem>>, vector<16xi32>,
      %mul3A_105 = arith.constant 16 : i32
      %mul3A_106 = arith.muli %scan3A_100, %mul3A_105 : i32
      %slice3A_107 = vector.extract_strided_slice %get3A_104 {offsets = [0], sizes = [1], strides = [1]} : vector<16xi32> to vector<1xi32>
      %squeeze3A_108 = vector.extract %slice3A_107[0] : i32 from vector<1xi32>
      %add3A_109 = arith.constant 0 : i32
      %add3A_110 = arith.addi %mul3A_106, %add3A_109 : i32
      %dma_wait3A_111 = arith.constant 0 : i32
      %dma_wait3A_112 = arith.constant 0 : i32
      %dma_wait3A_113 = tpu.memref_slice %arg5[%dma_wait3A_111, %dma_wait3A_112] : memref<64x1000000xf32, #tpu.memory_space<hbm>> -> memref<64x128xf32, #tpu.memory_space<hbm>>
      %dma_wait3A_114 = arith.constant 0 : i32
      %dma_wait3A_115 = arith.constant 0 : i32
      %dma_wait3A_116 = tpu.memref_slice %arg5[%dma_wait3A_114, %dma_wait3A_115] : memref<64x1000000xf32, #tpu.memory_space<hbm>> -> memref<64x128xf32, #tpu.memory_space<hbm>>
      tpu.wait_dma2 semaphore(%arg21 : memref<!tpu.dma_semaphore, #tpu.memory_space<semaphore_mem>>) src(%dma_wait3A_116 : memref<64x128xf32, #tpu.memory_space<hbm>>) dst(%arg11 : memref<64x128xf32, #tpu.memory_space<vmem>>)
      %and3A_117 = arith.constant 127 : i32
      %and3A_118 = arith.andi %squeeze3A_108, %and3A_117 : i32
      %broadcast_in_dim3A = vector.broadcast %and3A_118 : i32 to vector<16xi32>
      %broadcast_in_dim3A_119 = vector.broadcast %add3A_110 : i32 to vector<16xi32>
      %gather3A = tpu.vector_load_idx %arg11[%add3A_7, %broadcast_in_dim3A] : memref<64x128xf32, #tpu.memory_space<vmem>>[vector<16xi32>, vector<16xi32>], vector<16xf32>,
      tpu.vector_store_idx %arg19[%add3A_7, %broadcast_in_dim3A_119], %gather3A : memref<64x128xf32, #tpu.memory_space<vmem>>[vector<16xi32>, vector<16xi32>], vector<16xf32>,
      %gather3A_120 = tpu.vector_load_idx %arg11[%add3A_10, %broadcast_in_dim3A] : memref<64x128xf32, #tpu.memory_space<vmem>>[vector<16xi32>, vector<16xi32>], vector<16xf32>,
      tpu.vector_store_idx %arg19[%add3A_10, %broadcast_in_dim3A_119], %gather3A_120 : memref<64x128xf32, #tpu.memory_space<vmem>>[vector<16xi32>, vector<16xi32>], vector<16xf32>,
      %gather3A_121 = tpu.vector_load_idx %arg11[%add3A_13, %broadcast_in_dim3A] : memref<64x128xf32, #tpu.memory_space<vmem>>[vector<16xi32>, vector<16xi32>], vector<16xf32>,
      tpu.vector_store_idx %arg19[%add3A_13, %broadcast_in_dim3A_119], %gather3A_121 : memref<64x128xf32, #tpu.memory_space<vmem>>[vector<16xi32>, vector<16xi32>], vector<16xf32>,
      %gather3A_122 = tpu.vector_load_idx %arg11[%add3A_16, %broadcast_in_dim3A] : memref<64x128xf32, #tpu.memory_space<vmem>>[vector<16xi32>, vector<16xi32>], vector<16xf32>,
      tpu.vector_store_idx %arg19[%add3A_16, %broadcast_in_dim3A_119], %gather3A_122 : memref<64x128xf32, #tpu.memory_space<vmem>>[vector<16xi32>, vector<16xi32>], vector<16xf32>,
      %slice3A_123 = vector.extract_strided_slice %get3A_104 {offsets = [8], sizes = [1], strides = [1]} : vector<16xi32> to vector<1xi32>
      %squeeze3A_124 = vector.extract %slice3A_123[0] : i32 from vector<1xi32>
      %and3A_125 = arith.constant 127 : i32
      %and3A_126 = arith.andi %squeeze3A_124, %and3A_125 : i32
      %sub3A_127 = arith.subi %squeeze3A_124, %and3A_126 : i32
      %multiple_of3A_128 = tpu.assume_multiple %sub3A_127, 128 : i32
      %dma_start3A_129 = arith.constant 0 : i32
      %dma_start3A_130 = tpu.memref_slice %arg5[%dma_start3A_129, %multiple_of3A_128] : memref<64x1000000xf32, #tpu.memory_space<hbm>> -> memref<64x128xf32, #tpu.memory_space<hbm>>
      %dma_start3A_131 = arith.constant 0 : i32
      %dma_start3A_132 = tpu.memref_slice %arg5[%dma_start3A_131, %multiple_of3A_128] : memref<64x1000000xf32, #tpu.memory_space<hbm>> -> memref<64x128xf32, #tpu.memory_space<hbm>>
      tpu.enqueue_dma source(%dma_start3A_132 : memref<64x128xf32, #tpu.memory_space<hbm>>) target(%arg11 : memref<64x128xf32, #tpu.memory_space<vmem>>) target_semaphore(%arg21 : memref<!tpu.dma_semaphore, #tpu.memory_space<semaphore_mem>>)
      %slice3A_133 = vector.extract_strided_slice %get3A_104 {offsets = [1], sizes = [1], strides = [1]} : vector<16xi32> to vector<1xi32>
      %squeeze3A_134 = vector.extract %slice3A_133[0] : i32 from vector<1xi32>
      %add3A_135 = arith.constant 1 : i32
      %add3A_136 = arith.addi %mul3A_106, %add3A_135 : i32
      %dma_wait3A_137 = arith.constant 0 : i32
      %dma_wait3A_138 = arith.constant 0 : i32
      %dma_wait3A_139 = tpu.memref_slice %arg5[%dma_wait3A_137, %dma_wait3A_138] : memref<64x1000000xf32, #tpu.memory_space<hbm>> -> memref<64x128xf32, #tpu.memory_space<hbm>>
      %dma_wait3A_140 = arith.constant 0 : i32
      %dma_wait3A_141 = arith.constant 0 : i32
      %dma_wait3A_142 = tpu.memref_slice %arg5[%dma_wait3A_140, %dma_wait3A_141] : memref<64x1000000xf32, #tpu.memory_space<hbm>> -> memref<64x128xf32, #tpu.memory_space<hbm>>
      tpu.wait_dma2 semaphore(%arg22 : memref<!tpu.dma_semaphore, #tpu.memory_space<semaphore_mem>>) src(%dma_wait3A_142 : memref<64x128xf32, #tpu.memory_space<hbm>>) dst(%arg12 : memref<64x128xf32, #tpu.memory_space<vmem>>)
      %and3A_143 = arith.constant 127 : i32
      %and3A_144 = arith.andi %squeeze3A_134, %and3A_143 : i32
      %broadcast_in_dim3A_145 = vector.broadcast %and3A_144 : i32 to vector<16xi32>
      %broadcast_in_dim3A_146 = vector.broadcast %add3A_136 : i32 to vector<16xi32>
      %gather3A_147 = tpu.vector_load_idx %arg12[%add3A_7, %broadcast_in_dim3A_145] : memref<64x128xf32, #tpu.memory_space<vmem>>[vector<16xi32>, vector<16xi32>], vector<16xf32>,
      tpu.vector_store_idx %arg19[%add3A_7, %broadcast_in_dim3A_146], %gather3A_147 : memref<64x128xf32, #tpu.memory_space<vmem>>[vector<16xi32>, vector<16xi32>], vector<16xf32>,
      %gather3A_148 = tpu.vector_load_idx %arg12[%add3A_10, %broadcast_in_dim3A_145] : memref<64x128xf32, #tpu.memory_space<vmem>>[vector<16xi32>, vector<16xi32>], vector<16xf32>,
      tpu.vector_store_idx %arg19[%add3A_10, %broadcast_in_dim3A_146], %gather3A_148 : memref<64x128xf32, #tpu.memory_space<vmem>>[vector<16xi32>, vector<16xi32>], vector<16xf32>,
      %gather3A_149 = tpu.vector_load_idx %arg12[%add3A_13, %broadcast_in_dim3A_145] : memref<64x128xf32, #tpu.memory_space<vmem>>[vector<16xi32>, vector<16xi32>], vector<16xf32>,
      tpu.vector_store_idx %arg19[%add3A_13, %broadcast_in_dim3A_146], %gather3A_149 : memref<64x128xf32, #tpu.memory_space<vmem>>[vector<16xi32>, vector<16xi32>], vector<16xf32>,
      %gather3A_150 = tpu.vector_load_idx %arg12[%add3A_16, %broadcast_in_dim3A_145] : memref<64x128xf32, #tpu.memory_space<vmem>>[vector<16xi32>, vector<16xi32>], vector<16xf32>,
      tpu.vector_store_idx %arg19[%add3A_16, %broadcast_in_dim3A_146], %gather3A_150 : memref<64x128xf32, #tpu.memory_space<vmem>>[vector<16xi32>, vector<16xi32>], vector<16xf32>,
      %slice3A_151 = vector.extract_strided_slice %get3A_104 {offsets = [9], sizes = [1], strides = [1]} : vector<16xi32> to vector<1xi32>
      %squeeze3A_152 = vector.extract %slice3A_151[0] : i32 from vector<1xi32>
      %and3A_153 = arith.constant 127 : i32
      %and3A_154 = arith.andi %squeeze3A_152, %and3A_153 : i32
      %sub3A_155 = arith.subi %squeeze3A_152, %and3A_154 : i32
      %multiple_of3A_156 = tpu.assume_multiple %sub3A_155, 128 : i32
      %dma_start3A_157 = arith.constant 0 : i32
      %dma_start3A_158 = tpu.memref_slice %arg5[%dma_start3A_157, %multiple_of3A_156] : memref<64x1000000xf32, #tpu.memory_space<hbm>> -> memref<64x128xf32, #tpu.memory_space<hbm>>
      %dma_start3A_159 = arith.constant 0 : i32
      %dma_start3A_160 = tpu.memref_slice %arg5[%dma_start3A_159, %multiple_of3A_156] : memref<64x1000000xf32, #tpu.memory_space<hbm>> -> memref<64x128xf32, #tpu.memory_space<hbm>>
      tpu.enqueue_dma source(%dma_start3A_160 : memref<64x128xf32, #tpu.memory_space<hbm>>) target(%arg12 : memref<64x128xf32, #tpu.memory_space<vmem>>) target_semaphore(%arg22 : memref<!tpu.dma_semaphore, #tpu.memory_space<semaphore_mem>>)
      %slice3A_161 = vector.extract_strided_slice %get3A_104 {offsets = [2], sizes = [1], strides = [1]} : vector<16xi32> to vector<1xi32>
      %squeeze3A_162 = vector.extract %slice3A_161[0] : i32 from vector<1xi32>
      %add3A_163 = arith.constant 2 : i32
      %add3A_164 = arith.addi %mul3A_106, %add3A_163 : i32
      %dma_wait3A_165 = arith.constant 0 : i32
      %dma_wait3A_166 = arith.constant 0 : i32
      %dma_wait3A_167 = tpu.memref_slice %arg5[%dma_wait3A_165, %dma_wait3A_166] : memref<64x1000000xf32, #tpu.memory_space<hbm>> -> memref<64x128xf32, #tpu.memory_space<hbm>>
      %dma_wait3A_168 = arith.constant 0 : i32
      %dma_wait3A_169 = arith.constant 0 : i32
      %dma_wait3A_170 = tpu.memref_slice %arg5[%dma_wait3A_168, %dma_wait3A_169] : memref<64x1000000xf32, #tpu.memory_space<hbm>> -> memref<64x128xf32, #tpu.memory_space<hbm>>
      tpu.wait_dma2 semaphore(%arg23 : memref<!tpu.dma_semaphore, #tpu.memory_space<semaphore_mem>>) src(%dma_wait3A_170 : memref<64x128xf32, #tpu.memory_space<hbm>>) dst(%arg13 : memref<64x128xf32, #tpu.memory_space<vmem>>)
      %and3A_171 = arith.constant 127 : i32
      %and3A_172 = arith.andi %squeeze3A_162, %and3A_171 : i32
      %broadcast_in_dim3A_173 = vector.broadcast %and3A_172 : i32 to vector<16xi32>
      %broadcast_in_dim3A_174 = vector.broadcast %add3A_164 : i32 to vector<16xi32>
      %gather3A_175 = tpu.vector_load_idx %arg13[%add3A_7, %broadcast_in_dim3A_173] : memref<64x128xf32, #tpu.memory_space<vmem>>[vector<16xi32>, vector<16xi32>], vector<16xf32>,
      tpu.vector_store_idx %arg19[%add3A_7, %broadcast_in_dim3A_174], %gather3A_175 : memref<64x128xf32, #tpu.memory_space<vmem>>[vector<16xi32>, vector<16xi32>], vector<16xf32>,
      %gather3A_176 = tpu.vector_load_idx %arg13[%add3A_10, %broadcast_in_dim3A_173] : memref<64x128xf32, #tpu.memory_space<vmem>>[vector<16xi32>, vector<16xi32>], vector<16xf32>,
      tpu.vector_store_idx %arg19[%add3A_10, %broadcast_in_dim3A_174], %gather3A_176 : memref<64x128xf32, #tpu.memory_space<vmem>>[vector<16xi32>, vector<16xi32>], vector<16xf32>,
      %gather3A_177 = tpu.vector_load_idx %arg13[%add3A_13, %broadcast_in_dim3A_173] : memref<64x128xf32, #tpu.memory_space<vmem>>[vector<16xi32>, vector<16xi32>], vector<16xf32>,
      tpu.vector_store_idx %arg19[%add3A_13, %broadcast_in_dim3A_174], %gather3A_177 : memref<64x128xf32, #tpu.memory_space<vmem>>[vector<16xi32>, vector<16xi32>], vector<16xf32>,
      %gather3A_178 = tpu.vector_load_idx %arg13[%add3A_16, %broadcast_in_dim3A_173] : memref<64x128xf32, #tpu.memory_space<vmem>>[vector<16xi32>, vector<16xi32>], vector<16xf32>,
      tpu.vector_store_idx %arg19[%add3A_16, %broadcast_in_dim3A_174], %gather3A_178 : memref<64x128xf32, #tpu.memory_space<vmem>>[vector<16xi32>, vector<16xi32>], vector<16xf32>,
      %slice3A_179 = vector.extract_strided_slice %get3A_104 {offsets = [10], sizes = [1], strides = [1]} : vector<16xi32> to vector<1xi32>
      %squeeze3A_180 = vector.extract %slice3A_179[0] : i32 from vector<1xi32>
      %and3A_181 = arith.constant 127 : i32
      %and3A_182 = arith.andi %squeeze3A_180, %and3A_181 : i32
      %sub3A_183 = arith.subi %squeeze3A_180, %and3A_182 : i32
      %multiple_of3A_184 = tpu.assume_multiple %sub3A_183, 128 : i32
      %dma_start3A_185 = arith.constant 0 : i32
      %dma_start3A_186 = tpu.memref_slice %arg5[%dma_start3A_185, %multiple_of3A_184] : memref<64x1000000xf32, #tpu.memory_space<hbm>> -> memref<64x128xf32, #tpu.memory_space<hbm>>
      %dma_start3A_187 = arith.constant 0 : i32
      %dma_start3A_188 = tpu.memref_slice %arg5[%dma_start3A_187, %multiple_of3A_184] : memref<64x1000000xf32, #tpu.memory_space<hbm>> -> memref<64x128xf32, #tpu.memory_space<hbm>>
      tpu.enqueue_dma source(%dma_start3A_188 : memref<64x128xf32, #tpu.memory_space<hbm>>) target(%arg13 : memref<64x128xf32, #tpu.memory_space<vmem>>) target_semaphore(%arg23 : memref<!tpu.dma_semaphore, #tpu.memory_space<semaphore_mem>>)
      %slice3A_189 = vector.extract_strided_slice %get3A_104 {offsets = [3], sizes = [1], strides = [1]} : vector<16xi32> to vector<1xi32>
      %squeeze3A_190 = vector.extract %slice3A_189[0] : i32 from vector<1xi32>
      %add3A_191 = arith.constant 3 : i32
      %add3A_192 = arith.addi %mul3A_106, %add3A_191 : i32
      %dma_wait3A_193 = arith.constant 0 : i32
      %dma_wait3A_194 = arith.constant 0 : i32
      %dma_wait3A_195 = tpu.memref_slice %arg5[%dma_wait3A_193, %dma_wait3A_194] : memref<64x1000000xf32, #tpu.memory_space<hbm>> -> memref<64x128xf32, #tpu.memory_space<hbm>>
      %dma_wait3A_196 = arith.constant 0 : i32
      %dma_wait3A_197 = arith.constant 0 : i32
      %dma_wait3A_198 = tpu.memref_slice %arg5[%dma_wait3A_196, %dma_wait3A_197] : memref<64x1000000xf32, #tpu.memory_space<hbm>> -> memref<64x128xf32, #tpu.memory_space<hbm>>
      tpu.wait_dma2 semaphore(%arg24 : memref<!tpu.dma_semaphore, #tpu.memory_space<semaphore_mem>>) src(%dma_wait3A_198 : memref<64x128xf32, #tpu.memory_space<hbm>>) dst(%arg14 : memref<64x128xf32, #tpu.memory_space<vmem>>)
      %and3A_199 = arith.constant 127 : i32
      %and3A_200 = arith.andi %squeeze3A_190, %and3A_199 : i32
      %broadcast_in_dim3A_201 = vector.broadcast %and3A_200 : i32 to vector<16xi32>
      %broadcast_in_dim3A_202 = vector.broadcast %add3A_192 : i32 to vector<16xi32>
      %gather3A_203 = tpu.vector_load_idx %arg14[%add3A_7, %broadcast_in_dim3A_201] : memref<64x128xf32, #tpu.memory_space<vmem>>[vector<16xi32>, vector<16xi32>], vector<16xf32>,
      tpu.vector_store_idx %arg19[%add3A_7, %broadcast_in_dim3A_202], %gather3A_203 : memref<64x128xf32, #tpu.memory_space<vmem>>[vector<16xi32>, vector<16xi32>], vector<16xf32>,
      %gather3A_204 = tpu.vector_load_idx %arg14[%add3A_10, %broadcast_in_dim3A_201] : memref<64x128xf32, #tpu.memory_space<vmem>>[vector<16xi32>, vector<16xi32>], vector<16xf32>,
      tpu.vector_store_idx %arg19[%add3A_10, %broadcast_in_dim3A_202], %gather3A_204 : memref<64x128xf32, #tpu.memory_space<vmem>>[vector<16xi32>, vector<16xi32>], vector<16xf32>,
      %gather3A_205 = tpu.vector_load_idx %arg14[%add3A_13, %broadcast_in_dim3A_201] : memref<64x128xf32, #tpu.memory_space<vmem>>[vector<16xi32>, vector<16xi32>], vector<16xf32>,
      tpu.vector_store_idx %arg19[%add3A_13, %broadcast_in_dim3A_202], %gather3A_205 : memref<64x128xf32, #tpu.memory_space<vmem>>[vector<16xi32>, vector<16xi32>], vector<16xf32>,
      %gather3A_206 = tpu.vector_load_idx %arg14[%add3A_16, %broadcast_in_dim3A_201] : memref<64x128xf32, #tpu.memory_space<vmem>>[vector<16xi32>, vector<16xi32>], vector<16xf32>,
      tpu.vector_store_idx %arg19[%add3A_16, %broadcast_in_dim3A_202], %gather3A_206 : memref<64x128xf32, #tpu.memory_space<vmem>>[vector<16xi32>, vector<16xi32>], vector<16xf32>,
      %slice3A_207 = vector.extract_strided_slice %get3A_104 {offsets = [11], sizes = [1], strides = [1]} : vector<16xi32> to vector<1xi32>
      %squeeze3A_208 = vector.extract %slice3A_207[0] : i32 from vector<1xi32>
      %and3A_209 = arith.constant 127 : i32
      %and3A_210 = arith.andi %squeeze3A_208, %and3A_209 : i32
      %sub3A_211 = arith.subi %squeeze3A_208, %and3A_210 : i32
      %multiple_of3A_212 = tpu.assume_multiple %sub3A_211, 128 : i32
      %dma_start3A_213 = arith.constant 0 : i32
      %dma_start3A_214 = tpu.memref_slice %arg5[%dma_start3A_213, %multiple_of3A_212] : memref<64x1000000xf32, #tpu.memory_space<hbm>> -> memref<64x128xf32, #tpu.memory_space<hbm>>
      %dma_start3A_215 = arith.constant 0 : i32
      %dma_start3A_216 = tpu.memref_slice %arg5[%dma_start3A_215, %multiple_of3A_212] : memref<64x1000000xf32, #tpu.memory_space<hbm>> -> memref<64x128xf32, #tpu.memory_space<hbm>>
      tpu.enqueue_dma source(%dma_start3A_216 : memref<64x128xf32, #tpu.memory_space<hbm>>) target(%arg14 : memref<64x128xf32, #tpu.memory_space<vmem>>) target_semaphore(%arg24 : memref<!tpu.dma_semaphore, #tpu.memory_space<semaphore_mem>>)
      %slice3A_217 = vector.extract_strided_slice %get3A_104 {offsets = [4], sizes = [1], strides = [1]} : vector<16xi32> to vector<1xi32>
      %squeeze3A_218 = vector.extract %slice3A_217[0] : i32 from vector<1xi32>
      %add3A_219 = arith.constant 4 : i32
      %add3A_220 = arith.addi %mul3A_106, %add3A_219 : i32
      %dma_wait3A_221 = arith.constant 0 : i32
      %dma_wait3A_222 = arith.constant 0 : i32
      %dma_wait3A_223 = tpu.memref_slice %arg5[%dma_wait3A_221, %dma_wait3A_222] : memref<64x1000000xf32, #tpu.memory_space<hbm>> -> memref<64x128xf32, #tpu.memory_space<hbm>>
      %dma_wait3A_224 = arith.constant 0 : i32
      %dma_wait3A_225 = arith.constant 0 : i32
      %dma_wait3A_226 = tpu.memref_slice %arg5[%dma_wait3A_224, %dma_wait3A_225] : memref<64x1000000xf32, #tpu.memory_space<hbm>> -> memref<64x128xf32, #tpu.memory_space<hbm>>
      tpu.wait_dma2 semaphore(%arg25 : memref<!tpu.dma_semaphore, #tpu.memory_space<semaphore_mem>>) src(%dma_wait3A_226 : memref<64x128xf32, #tpu.memory_space<hbm>>) dst(%arg15 : memref<64x128xf32, #tpu.memory_space<vmem>>)
      %and3A_227 = arith.constant 127 : i32
      %and3A_228 = arith.andi %squeeze3A_218, %and3A_227 : i32
      %broadcast_in_dim3A_229 = vector.broadcast %and3A_228 : i32 to vector<16xi32>
      %broadcast_in_dim3A_230 = vector.broadcast %add3A_220 : i32 to vector<16xi32>
      %gather3A_231 = tpu.vector_load_idx %arg15[%add3A_7, %broadcast_in_dim3A_229] : memref<64x128xf32, #tpu.memory_space<vmem>>[vector<16xi32>, vector<16xi32>], vector<16xf32>,
      tpu.vector_store_idx %arg19[%add3A_7, %broadcast_in_dim3A_230], %gather3A_231 : memref<64x128xf32, #tpu.memory_space<vmem>>[vector<16xi32>, vector<16xi32>], vector<16xf32>,
      %gather3A_232 = tpu.vector_load_idx %arg15[%add3A_10, %broadcast_in_dim3A_229] : memref<64x128xf32, #tpu.memory_space<vmem>>[vector<16xi32>, vector<16xi32>], vector<16xf32>,
      tpu.vector_store_idx %arg19[%add3A_10, %broadcast_in_dim3A_230], %gather3A_232 : memref<64x128xf32, #tpu.memory_space<vmem>>[vector<16xi32>, vector<16xi32>], vector<16xf32>,
      %gather3A_233 = tpu.vector_load_idx %arg15[%add3A_13, %broadcast_in_dim3A_229] : memref<64x128xf32, #tpu.memory_space<vmem>>[vector<16xi32>, vector<16xi32>], vector<16xf32>,
      tpu.vector_store_idx %arg19[%add3A_13, %broadcast_in_dim3A_230], %gather3A_233 : memref<64x128xf32, #tpu.memory_space<vmem>>[vector<16xi32>, vector<16xi32>], vector<16xf32>,
      %gather3A_234 = tpu.vector_load_idx %arg15[%add3A_16, %broadcast_in_dim3A_229] : memref<64x128xf32, #tpu.memory_space<vmem>>[vector<16xi32>, vector<16xi32>], vector<16xf32>,
      tpu.vector_store_idx %arg19[%add3A_16, %broadcast_in_dim3A_230], %gather3A_234 : memref<64x128xf32, #tpu.memory_space<vmem>>[vector<16xi32>, vector<16xi32>], vector<16xf32>,
      %slice3A_235 = vector.extract_strided_slice %get3A_104 {offsets = [12], sizes = [1], strides = [1]} : vector<16xi32> to vector<1xi32>
      %squeeze3A_236 = vector.extract %slice3A_235[0] : i32 from vector<1xi32>
      %and3A_237 = arith.constant 127 : i32
      %and3A_238 = arith.andi %squeeze3A_236, %and3A_237 : i32
      %sub3A_239 = arith.subi %squeeze3A_236, %and3A_238 : i32
      %multiple_of3A_240 = tpu.assume_multiple %sub3A_239, 128 : i32
      %dma_start3A_241 = arith.constant 0 : i32
      %dma_start3A_242 = tpu.memref_slice %arg5[%dma_start3A_241, %multiple_of3A_240] : memref<64x1000000xf32, #tpu.memory_space<hbm>> -> memref<64x128xf32, #tpu.memory_space<hbm>>
      %dma_start3A_243 = arith.constant 0 : i32
      %dma_start3A_244 = tpu.memref_slice %arg5[%dma_start3A_243, %multiple_of3A_240] : memref<64x1000000xf32, #tpu.memory_space<hbm>> -> memref<64x128xf32, #tpu.memory_space<hbm>>
      tpu.enqueue_dma source(%dma_start3A_244 : memref<64x128xf32, #tpu.memory_space<hbm>>) target(%arg15 : memref<64x128xf32, #tpu.memory_space<vmem>>) target_semaphore(%arg25 : memref<!tpu.dma_semaphore, #tpu.memory_space<semaphore_mem>>)
      %slice3A_245 = vector.extract_strided_slice %get3A_104 {offsets = [5], sizes = [1], strides = [1]} : vector<16xi32> to vector<1xi32>
      %squeeze3A_246 = vector.extract %slice3A_245[0] : i32 from vector<1xi32>
      %add3A_247 = arith.constant 5 : i32
      %add3A_248 = arith.addi %mul3A_106, %add3A_247 : i32
      %dma_wait3A_249 = arith.constant 0 : i32
      %dma_wait3A_250 = arith.constant 0 : i32
      %dma_wait3A_251 = tpu.memref_slice %arg5[%dma_wait3A_249, %dma_wait3A_250] : memref<64x1000000xf32, #tpu.memory_space<hbm>> -> memref<64x128xf32, #tpu.memory_space<hbm>>
      %dma_wait3A_252 = arith.constant 0 : i32
      %dma_wait3A_253 = arith.constant 0 : i32
      %dma_wait3A_254 = tpu.memref_slice %arg5[%dma_wait3A_252, %dma_wait3A_253] : memref<64x1000000xf32, #tpu.memory_space<hbm>> -> memref<64x128xf32, #tpu.memory_space<hbm>>
      tpu.wait_dma2 semaphore(%arg26 : memref<!tpu.dma_semaphore, #tpu.memory_space<semaphore_mem>>) src(%dma_wait3A_254 : memref<64x128xf32, #tpu.memory_space<hbm>>) dst(%arg16 : memref<64x128xf32, #tpu.memory_space<vmem>>)
      %and3A_255 = arith.constant 127 : i32
      %and3A_256 = arith.andi %squeeze3A_246, %and3A_255 : i32
      %broadcast_in_dim3A_257 = vector.broadcast %and3A_256 : i32 to vector<16xi32>
      %broadcast_in_dim3A_258 = vector.broadcast %add3A_248 : i32 to vector<16xi32>
      %gather3A_259 = tpu.vector_load_idx %arg16[%add3A_7, %broadcast_in_dim3A_257] : memref<64x128xf32, #tpu.memory_space<vmem>>[vector<16xi32>, vector<16xi32>], vector<16xf32>,
      tpu.vector_store_idx %arg19[%add3A_7, %broadcast_in_dim3A_258], %gather3A_259 : memref<64x128xf32, #tpu.memory_space<vmem>>[vector<16xi32>, vector<16xi32>], vector<16xf32>,
      %gather3A_260 = tpu.vector_load_idx %arg16[%add3A_10, %broadcast_in_dim3A_257] : memref<64x128xf32, #tpu.memory_space<vmem>>[vector<16xi32>, vector<16xi32>], vector<16xf32>,
      tpu.vector_store_idx %arg19[%add3A_10, %broadcast_in_dim3A_258], %gather3A_260 : memref<64x128xf32, #tpu.memory_space<vmem>>[vector<16xi32>, vector<16xi32>], vector<16xf32>,
      %gather3A_261 = tpu.vector_load_idx %arg16[%add3A_13, %broadcast_in_dim3A_257] : memref<64x128xf32, #tpu.memory_space<vmem>>[vector<16xi32>, vector<16xi32>], vector<16xf32>,
      tpu.vector_store_idx %arg19[%add3A_13, %broadcast_in_dim3A_258], %gather3A_261 : memref<64x128xf32, #tpu.memory_space<vmem>>[vector<16xi32>, vector<16xi32>], vector<16xf32>,
      %gather3A_262 = tpu.vector_load_idx %arg16[%add3A_16, %broadcast_in_dim3A_257] : memref<64x128xf32, #tpu.memory_space<vmem>>[vector<16xi32>, vector<16xi32>], vector<16xf32>,
      tpu.vector_store_idx %arg19[%add3A_16, %broadcast_in_dim3A_258], %gather3A_262 : memref<64x128xf32, #tpu.memory_space<vmem>>[vector<16xi32>, vector<16xi32>], vector<16xf32>,
      %slice3A_263 = vector.extract_strided_slice %get3A_104 {offsets = [13], sizes = [1], strides = [1]} : vector<16xi32> to vector<1xi32>
      %squeeze3A_264 = vector.extract %slice3A_263[0] : i32 from vector<1xi32>
      %and3A_265 = arith.constant 127 : i32
      %and3A_266 = arith.andi %squeeze3A_264, %and3A_265 : i32
      %sub3A_267 = arith.subi %squeeze3A_264, %and3A_266 : i32
      %multiple_of3A_268 = tpu.assume_multiple %sub3A_267, 128 : i32
      %dma_start3A_269 = arith.constant 0 : i32
      %dma_start3A_270 = tpu.memref_slice %arg5[%dma_start3A_269, %multiple_of3A_268] : memref<64x1000000xf32, #tpu.memory_space<hbm>> -> memref<64x128xf32, #tpu.memory_space<hbm>>
      %dma_start3A_271 = arith.constant 0 : i32
      %dma_start3A_272 = tpu.memref_slice %arg5[%dma_start3A_271, %multiple_of3A_268] : memref<64x1000000xf32, #tpu.memory_space<hbm>> -> memref<64x128xf32, #tpu.memory_space<hbm>>
      tpu.enqueue_dma source(%dma_start3A_272 : memref<64x128xf32, #tpu.memory_space<hbm>>) target(%arg16 : memref<64x128xf32, #tpu.memory_space<vmem>>) target_semaphore(%arg26 : memref<!tpu.dma_semaphore, #tpu.memory_space<semaphore_mem>>)
      %slice3A_273 = vector.extract_strided_slice %get3A_104 {offsets = [6], sizes = [1], strides = [1]} : vector<16xi32> to vector<1xi32>
      %squeeze3A_274 = vector.extract %slice3A_273[0] : i32 from vector<1xi32>
      %add3A_275 = arith.constant 6 : i32
      %add3A_276 = arith.addi %mul3A_106, %add3A_275 : i32
      %dma_wait3A_277 = arith.constant 0 : i32
      %dma_wait3A_278 = arith.constant 0 : i32
      %dma_wait3A_279 = tpu.memref_slice %arg5[%dma_wait3A_277, %dma_wait3A_278] : memref<64x1000000xf32, #tpu.memory_space<hbm>> -> memref<64x128xf32, #tpu.memory_space<hbm>>
      %dma_wait3A_280 = arith.constant 0 : i32
      %dma_wait3A_281 = arith.constant 0 : i32
      %dma_wait3A_282 = tpu.memref_slice %arg5[%dma_wait3A_280, %dma_wait3A_281] : memref<64x1000000xf32, #tpu.memory_space<hbm>> -> memref<64x128xf32, #tpu.memory_space<hbm>>
      tpu.wait_dma2 semaphore(%arg27 : memref<!tpu.dma_semaphore, #tpu.memory_space<semaphore_mem>>) src(%dma_wait3A_282 : memref<64x128xf32, #tpu.memory_space<hbm>>) dst(%arg17 : memref<64x128xf32, #tpu.memory_space<vmem>>)
      %and3A_283 = arith.constant 127 : i32
      %and3A_284 = arith.andi %squeeze3A_274, %and3A_283 : i32
      %broadcast_in_dim3A_285 = vector.broadcast %and3A_284 : i32 to vector<16xi32>
      %broadcast_in_dim3A_286 = vector.broadcast %add3A_276 : i32 to vector<16xi32>
      %gather3A_287 = tpu.vector_load_idx %arg17[%add3A_7, %broadcast_in_dim3A_285] : memref<64x128xf32, #tpu.memory_space<vmem>>[vector<16xi32>, vector<16xi32>], vector<16xf32>,
      tpu.vector_store_idx %arg19[%add3A_7, %broadcast_in_dim3A_286], %gather3A_287 : memref<64x128xf32, #tpu.memory_space<vmem>>[vector<16xi32>, vector<16xi32>], vector<16xf32>,
      %gather3A_288 = tpu.vector_load_idx %arg17[%add3A_10, %broadcast_in_dim3A_285] : memref<64x128xf32, #tpu.memory_space<vmem>>[vector<16xi32>, vector<16xi32>], vector<16xf32>,
      tpu.vector_store_idx %arg19[%add3A_10, %broadcast_in_dim3A_286], %gather3A_288 : memref<64x128xf32, #tpu.memory_space<vmem>>[vector<16xi32>, vector<16xi32>], vector<16xf32>,
      %gather3A_289 = tpu.vector_load_idx %arg17[%add3A_13, %broadcast_in_dim3A_285] : memref<64x128xf32, #tpu.memory_space<vmem>>[vector<16xi32>, vector<16xi32>], vector<16xf32>,
      tpu.vector_store_idx %arg19[%add3A_13, %broadcast_in_dim3A_286], %gather3A_289 : memref<64x128xf32, #tpu.memory_space<vmem>>[vector<16xi32>, vector<16xi32>], vector<16xf32>,
      %gather3A_290 = tpu.vector_load_idx %arg17[%add3A_16, %broadcast_in_dim3A_285] : memref<64x128xf32, #tpu.memory_space<vmem>>[vector<16xi32>, vector<16xi32>], vector<16xf32>,
      tpu.vector_store_idx %arg19[%add3A_16, %broadcast_in_dim3A_286], %gather3A_290 : memref<64x128xf32, #tpu.memory_space<vmem>>[vector<16xi32>, vector<16xi32>], vector<16xf32>,
      %slice3A_291 = vector.extract_strided_slice %get3A_104 {offsets = [14], sizes = [1], strides = [1]} : vector<16xi32> to vector<1xi32>
      %squeeze3A_292 = vector.extract %slice3A_291[0] : i32 from vector<1xi32>
      %and3A_293 = arith.constant 127 : i32
      %and3A_294 = arith.andi %squeeze3A_292, %and3A_293 : i32
      %sub3A_295 = arith.subi %squeeze3A_292, %and3A_294 : i32
      %multiple_of3A_296 = tpu.assume_multiple %sub3A_295, 128 : i32
      %dma_start3A_297 = arith.constant 0 : i32
      %dma_start3A_298 = tpu.memref_slice %arg5[%dma_start3A_297, %multiple_of3A_296] : memref<64x1000000xf32, #tpu.memory_space<hbm>> -> memref<64x128xf32, #tpu.memory_space<hbm>>
      %dma_start3A_299 = arith.constant 0 : i32
      %dma_start3A_300 = tpu.memref_slice %arg5[%dma_start3A_299, %multiple_of3A_296] : memref<64x1000000xf32, #tpu.memory_space<hbm>> -> memref<64x128xf32, #tpu.memory_space<hbm>>
      tpu.enqueue_dma source(%dma_start3A_300 : memref<64x128xf32, #tpu.memory_space<hbm>>) target(%arg17 : memref<64x128xf32, #tpu.memory_space<vmem>>) target_semaphore(%arg27 : memref<!tpu.dma_semaphore, #tpu.memory_space<semaphore_mem>>)
      %slice3A_301 = vector.extract_strided_slice %get3A_104 {offsets = [7], sizes = [1], strides = [1]} : vector<16xi32> to vector<1xi32>
      %squeeze3A_302 = vector.extract %slice3A_301[0] : i32 from vector<1xi32>
      %add3A_303 = arith.constant 7 : i32
      %add3A_304 = arith.addi %mul3A_106, %add3A_303 : i32
      %dma_wait3A_305 = arith.constant 0 : i32
      %dma_wait3A_306 = arith.constant 0 : i32
      %dma_wait3A_307 = tpu.memref_slice %arg5[%dma_wait3A_305, %dma_wait3A_306] : memref<64x1000000xf32, #tpu.memory_space<hbm>> -> memref<64x128xf32, #tpu.memory_space<hbm>>
      %dma_wait3A_308 = arith.constant 0 : i32
      %dma_wait3A_309 = arith.constant 0 : i32
      %dma_wait3A_310 = tpu.memref_slice %arg5[%dma_wait3A_308, %dma_wait3A_309] : memref<64x1000000xf32, #tpu.memory_space<hbm>> -> memref<64x128xf32, #tpu.memory_space<hbm>>
      tpu.wait_dma2 semaphore(%arg28 : memref<!tpu.dma_semaphore, #tpu.memory_space<semaphore_mem>>) src(%dma_wait3A_310 : memref<64x128xf32, #tpu.memory_space<hbm>>) dst(%arg18 : memref<64x128xf32, #tpu.memory_space<vmem>>)
      %and3A_311 = arith.constant 127 : i32
      %and3A_312 = arith.andi %squeeze3A_302, %and3A_311 : i32
      %broadcast_in_dim3A_313 = vector.broadcast %and3A_312 : i32 to vector<16xi32>
      %broadcast_in_dim3A_314 = vector.broadcast %add3A_304 : i32 to vector<16xi32>
      %gather3A_315 = tpu.vector_load_idx %arg18[%add3A_7, %broadcast_in_dim3A_313] : memref<64x128xf32, #tpu.memory_space<vmem>>[vector<16xi32>, vector<16xi32>], vector<16xf32>,
      tpu.vector_store_idx %arg19[%add3A_7, %broadcast_in_dim3A_314], %gather3A_315 : memref<64x128xf32, #tpu.memory_space<vmem>>[vector<16xi32>, vector<16xi32>], vector<16xf32>,
      %gather3A_316 = tpu.vector_load_idx %arg18[%add3A_10, %broadcast_in_dim3A_313] : memref<64x128xf32, #tpu.memory_space<vmem>>[vector<16xi32>, vector<16xi32>], vector<16xf32>,
      tpu.vector_store_idx %arg19[%add3A_10, %broadcast_in_dim3A_314], %gather3A_316 : memref<64x128xf32, #tpu.memory_space<vmem>>[vector<16xi32>, vector<16xi32>], vector<16xf32>,
      %gather3A_317 = tpu.vector_load_idx %arg18[%add3A_13, %broadcast_in_dim3A_313] : memref<64x128xf32, #tpu.memory_space<vmem>>[vector<16xi32>, vector<16xi32>], vector<16xf32>,
      tpu.vector_store_idx %arg19[%add3A_13, %broadcast_in_dim3A_314], %gather3A_317 : memref<64x128xf32, #tpu.memory_space<vmem>>[vector<16xi32>, vector<16xi32>], vector<16xf32>,
      %gather3A_318 = tpu.vector_load_idx %arg18[%add3A_16, %broadcast_in_dim3A_313] : memref<64x128xf32, #tpu.memory_space<vmem>>[vector<16xi32>, vector<16xi32>], vector<16xf32>,
      tpu.vector_store_idx %arg19[%add3A_16, %broadcast_in_dim3A_314], %gather3A_318 : memref<64x128xf32, #tpu.memory_space<vmem>>[vector<16xi32>, vector<16xi32>], vector<16xf32>,
      %slice3A_319 = vector.extract_strided_slice %get3A_104 {offsets = [15], sizes = [1], strides = [1]} : vector<16xi32> to vector<1xi32>
      %squeeze3A_320 = vector.extract %slice3A_319[0] : i32 from vector<1xi32>
      %and3A_321 = arith.constant 127 : i32
      %and3A_322 = arith.andi %squeeze3A_320, %and3A_321 : i32
      %sub3A_323 = arith.subi %squeeze3A_320, %and3A_322 : i32
      %multiple_of3A_324 = tpu.assume_multiple %sub3A_323, 128 : i32
      %dma_start3A_325 = arith.constant 0 : i32
      %dma_start3A_326 = tpu.memref_slice %arg5[%dma_start3A_325, %multiple_of3A_324] : memref<64x1000000xf32, #tpu.memory_space<hbm>> -> memref<64x128xf32, #tpu.memory_space<hbm>>
      %dma_start3A_327 = arith.constant 0 : i32
      %dma_start3A_328 = tpu.memref_slice %arg5[%dma_start3A_327, %multiple_of3A_324] : memref<64x1000000xf32, #tpu.memory_space<hbm>> -> memref<64x128xf32, #tpu.memory_space<hbm>>
      tpu.enqueue_dma source(%dma_start3A_328 : memref<64x128xf32, #tpu.memory_space<hbm>>) target(%arg18 : memref<64x128xf32, #tpu.memory_space<vmem>>) target_semaphore(%arg28 : memref<!tpu.dma_semaphore, #tpu.memory_space<semaphore_mem>>)
      %lt3A = arith.constant 7 : i32
      %lt3A_329 = arith.cmpi slt, %scan3A_100, %lt3A : i32
      %convert_element_type3A = arith.extui %lt3A_329 : i1 to i32
      %cond3A = arith.constant 0 : i32
      %cond3A_330 = arith.cmpi ne, %convert_element_type3A, %cond3A : i32
      scf.if %cond3A_330 {
        %add3A_335 = arith.constant 1 : i32
        %add3A_336 = arith.addi %scan3A_100, %add3A_335 : i32
        %mul3A_337 = arith.constant 16 : i32
        %mul3A_338 = arith.muli %add3A_336, %mul3A_337 : i32
        %get3A_339 = arith.index_cast %mul3A_338 : i32 to index
        %get3A_340 = tpu.vector_load %arg10[%get3A_339] {strides = array<i32>} : memref<128xi32, #tpu.memory_space<vmem>>, vector<16xi32>,
        %slice3A_341 = vector.extract_strided_slice %get3A_104 {offsets = [8], sizes = [1], strides = [1]} : vector<16xi32> to vector<1xi32>
        %squeeze3A_342 = vector.extract %slice3A_341[0] : i32 from vector<1xi32>
        %add3A_343 = arith.constant 0 : i32
        %add3A_344 = arith.addi %mul3A_106, %add3A_343 : i32
        %add3A_345 = arith.constant 8 : i32
        %add3A_346 = arith.addi %add3A_344, %add3A_345 : i32
        %dma_wait3A_347 = arith.constant 0 : i32
        %dma_wait3A_348 = arith.constant 0 : i32
        %dma_wait3A_349 = tpu.memref_slice %arg5[%dma_wait3A_347, %dma_wait3A_348] : memref<64x1000000xf32, #tpu.memory_space<hbm>> -> memref<64x128xf32, #tpu.memory_space<hbm>>
        %dma_wait3A_350 = arith.constant 0 : i32
        %dma_wait3A_351 = arith.constant 0 : i32
        %dma_wait3A_352 = tpu.memref_slice %arg5[%dma_wait3A_350, %dma_wait3A_351] : memref<64x1000000xf32, #tpu.memory_space<hbm>> -> memref<64x128xf32, #tpu.memory_space<hbm>>
        tpu.wait_dma2 semaphore(%arg21 : memref<!tpu.dma_semaphore, #tpu.memory_space<semaphore_mem>>) src(%dma_wait3A_352 : memref<64x128xf32, #tpu.memory_space<hbm>>) dst(%arg11 : memref<64x128xf32, #tpu.memory_space<vmem>>)
        %and3A_353 = arith.constant 127 : i32
        %and3A_354 = arith.andi %squeeze3A_342, %and3A_353 : i32
        %broadcast_in_dim3A_355 = vector.broadcast %and3A_354 : i32 to vector<16xi32>
        %broadcast_in_dim3A_356 = vector.broadcast %add3A_346 : i32 to vector<16xi32>
        %gather3A_357 = tpu.vector_load_idx %arg11[%add3A_7, %broadcast_in_dim3A_355] : memref<64x128xf32, #tpu.memory_space<vmem>>[vector<16xi32>, vector<16xi32>], vector<16xf32>,
        tpu.vector_store_idx %arg19[%add3A_7, %broadcast_in_dim3A_356], %gather3A_357 : memref<64x128xf32, #tpu.memory_space<vmem>>[vector<16xi32>, vector<16xi32>], vector<16xf32>,
        %gather3A_358 = tpu.vector_load_idx %arg11[%add3A_10, %broadcast_in_dim3A_355] : memref<64x128xf32, #tpu.memory_space<vmem>>[vector<16xi32>, vector<16xi32>], vector<16xf32>,
        tpu.vector_store_idx %arg19[%add3A_10, %broadcast_in_dim3A_356], %gather3A_358 : memref<64x128xf32, #tpu.memory_space<vmem>>[vector<16xi32>, vector<16xi32>], vector<16xf32>,
        %gather3A_359 = tpu.vector_load_idx %arg11[%add3A_13, %broadcast_in_dim3A_355] : memref<64x128xf32, #tpu.memory_space<vmem>>[vector<16xi32>, vector<16xi32>], vector<16xf32>,
        tpu.vector_store_idx %arg19[%add3A_13, %broadcast_in_dim3A_356], %gather3A_359 : memref<64x128xf32, #tpu.memory_space<vmem>>[vector<16xi32>, vector<16xi32>], vector<16xf32>,
        %gather3A_360 = tpu.vector_load_idx %arg11[%add3A_16, %broadcast_in_dim3A_355] : memref<64x128xf32, #tpu.memory_space<vmem>>[vector<16xi32>, vector<16xi32>], vector<16xf32>,
        tpu.vector_store_idx %arg19[%add3A_16, %broadcast_in_dim3A_356], %gather3A_360 : memref<64x128xf32, #tpu.memory_space<vmem>>[vector<16xi32>, vector<16xi32>], vector<16xf32>,
        %slice3A_361 = vector.extract_strided_slice %get3A_340 {offsets = [0], sizes = [1], strides = [1]} : vector<16xi32> to vector<1xi32>
        %squeeze3A_362 = vector.extract %slice3A_361[0] : i32 from vector<1xi32>
        %and3A_363 = arith.constant 127 : i32
        %and3A_364 = arith.andi %squeeze3A_362, %and3A_363 : i32
        %sub3A_365 = arith.subi %squeeze3A_362, %and3A_364 : i32
        %multiple_of3A_366 = tpu.assume_multiple %sub3A_365, 128 : i32
        %dma_start3A_367 = arith.constant 0 : i32
        %dma_start3A_368 = tpu.memref_slice %arg5[%dma_start3A_367, %multiple_of3A_366] : memref<64x1000000xf32, #tpu.memory_space<hbm>> -> memref<64x128xf32, #tpu.memory_space<hbm>>
        %dma_start3A_369 = arith.constant 0 : i32
        %dma_start3A_370 = tpu.memref_slice %arg5[%dma_start3A_369, %multiple_of3A_366] : memref<64x1000000xf32, #tpu.memory_space<hbm>> -> memref<64x128xf32, #tpu.memory_space<hbm>>
        tpu.enqueue_dma source(%dma_start3A_370 : memref<64x128xf32, #tpu.memory_space<hbm>>) target(%arg11 : memref<64x128xf32, #tpu.memory_space<vmem>>) target_semaphore(%arg21 : memref<!tpu.dma_semaphore, #tpu.memory_space<semaphore_mem>>)
        %slice3A_371 = vector.extract_strided_slice %get3A_104 {offsets = [9], sizes = [1], strides = [1]} : vector<16xi32> to vector<1xi32>
        %squeeze3A_372 = vector.extract %slice3A_371[0] : i32 from vector<1xi32>
        %add3A_373 = arith.constant 1 : i32
        %add3A_374 = arith.addi %mul3A_106, %add3A_373 : i32
        %add3A_375 = arith.constant 8 : i32
        %add3A_376 = arith.addi %add3A_374, %add3A_375 : i32
        %dma_wait3A_377 = arith.constant 0 : i32
        %dma_wait3A_378 = arith.constant 0 : i32
        %dma_wait3A_379 = tpu.memref_slice %arg5[%dma_wait3A_377, %dma_wait3A_378] : memref<64x1000000xf32, #tpu.memory_space<hbm>> -> memref<64x128xf32, #tpu.memory_space<hbm>>
        %dma_wait3A_380 = arith.constant 0 : i32
        %dma_wait3A_381 = arith.constant 0 : i32
        %dma_wait3A_382 = tpu.memref_slice %arg5[%dma_wait3A_380, %dma_wait3A_381] : memref<64x1000000xf32, #tpu.memory_space<hbm>> -> memref<64x128xf32, #tpu.memory_space<hbm>>
        tpu.wait_dma2 semaphore(%arg22 : memref<!tpu.dma_semaphore, #tpu.memory_space<semaphore_mem>>) src(%dma_wait3A_382 : memref<64x128xf32, #tpu.memory_space<hbm>>) dst(%arg12 : memref<64x128xf32, #tpu.memory_space<vmem>>)
        %and3A_383 = arith.constant 127 : i32
        %and3A_384 = arith.andi %squeeze3A_372, %and3A_383 : i32
        %broadcast_in_dim3A_385 = vector.broadcast %and3A_384 : i32 to vector<16xi32>
        %broadcast_in_dim3A_386 = vector.broadcast %add3A_376 : i32 to vector<16xi32>
        %gather3A_387 = tpu.vector_load_idx %arg12[%add3A_7, %broadcast_in_dim3A_385] : memref<64x128xf32, #tpu.memory_space<vmem>>[vector<16xi32>, vector<16xi32>], vector<16xf32>,
        tpu.vector_store_idx %arg19[%add3A_7, %broadcast_in_dim3A_386], %gather3A_387 : memref<64x128xf32, #tpu.memory_space<vmem>>[vector<16xi32>, vector<16xi32>], vector<16xf32>,
        %gather3A_388 = tpu.vector_load_idx %arg12[%add3A_10, %broadcast_in_dim3A_385] : memref<64x128xf32, #tpu.memory_space<vmem>>[vector<16xi32>, vector<16xi32>], vector<16xf32>,
        tpu.vector_store_idx %arg19[%add3A_10, %broadcast_in_dim3A_386], %gather3A_388 : memref<64x128xf32, #tpu.memory_space<vmem>>[vector<16xi32>, vector<16xi32>], vector<16xf32>,
        %gather3A_389 = tpu.vector_load_idx %arg12[%add3A_13, %broadcast_in_dim3A_385] : memref<64x128xf32, #tpu.memory_space<vmem>>[vector<16xi32>, vector<16xi32>], vector<16xf32>,
        tpu.vector_store_idx %arg19[%add3A_13, %broadcast_in_dim3A_386], %gather3A_389 : memref<64x128xf32, #tpu.memory_space<vmem>>[vector<16xi32>, vector<16xi32>], vector<16xf32>,
        %gather3A_390 = tpu.vector_load_idx %arg12[%add3A_16, %broadcast_in_dim3A_385] : memref<64x128xf32, #tpu.memory_space<vmem>>[vector<16xi32>, vector<16xi32>], vector<16xf32>,
        tpu.vector_store_idx %arg19[%add3A_16, %broadcast_in_dim3A_386], %gather3A_390 : memref<64x128xf32, #tpu.memory_space<vmem>>[vector<16xi32>, vector<16xi32>], vector<16xf32>,
        %slice3A_391 = vector.extract_strided_slice %get3A_340 {offsets = [1], sizes = [1], strides = [1]} : vector<16xi32> to vector<1xi32>
        %squeeze3A_392 = vector.extract %slice3A_391[0] : i32 from vector<1xi32>
        %and3A_393 = arith.constant 127 : i32
        %and3A_394 = arith.andi %squeeze3A_392, %and3A_393 : i32
        %sub3A_395 = arith.subi %squeeze3A_392, %and3A_394 : i32
        %multiple_of3A_396 = tpu.assume_multiple %sub3A_395, 128 : i32
        %dma_start3A_397 = arith.constant 0 : i32
        %dma_start3A_398 = tpu.memref_slice %arg5[%dma_start3A_397, %multiple_of3A_396] : memref<64x1000000xf32, #tpu.memory_space<hbm>> -> memref<64x128xf32, #tpu.memory_space<hbm>>
        %dma_start3A_399 = arith.constant 0 : i32
        %dma_start3A_400 = tpu.memref_slice %arg5[%dma_start3A_399, %multiple_of3A_396] : memref<64x1000000xf32, #tpu.memory_space<hbm>> -> memref<64x128xf32, #tpu.memory_space<hbm>>
        tpu.enqueue_dma source(%dma_start3A_400 : memref<64x128xf32, #tpu.memory_space<hbm>>) target(%arg12 : memref<64x128xf32, #tpu.memory_space<vmem>>) target_semaphore(%arg22 : memref<!tpu.dma_semaphore, #tpu.memory_space<semaphore_mem>>)
        %slice3A_401 = vector.extract_strided_slice %get3A_104 {offsets = [10], sizes = [1], strides = [1]} : vector<16xi32> to vector<1xi32>
        %squeeze3A_402 = vector.extract %slice3A_401[0] : i32 from vector<1xi32>
        %add3A_403 = arith.constant 2 : i32
        %add3A_404 = arith.addi %mul3A_106, %add3A_403 : i32
        %add3A_405 = arith.constant 8 : i32
        %add3A_406 = arith.addi %add3A_404, %add3A_405 : i32
        %dma_wait3A_407 = arith.constant 0 : i32
        %dma_wait3A_408 = arith.constant 0 : i32
        %dma_wait3A_409 = tpu.memref_slice %arg5[%dma_wait3A_407, %dma_wait3A_408] : memref<64x1000000xf32, #tpu.memory_space<hbm>> -> memref<64x128xf32, #tpu.memory_space<hbm>>
        %dma_wait3A_410 = arith.constant 0 : i32
        %dma_wait3A_411 = arith.constant 0 : i32
        %dma_wait3A_412 = tpu.memref_slice %arg5[%dma_wait3A_410, %dma_wait3A_411] : memref<64x1000000xf32, #tpu.memory_space<hbm>> -> memref<64x128xf32, #tpu.memory_space<hbm>>
        tpu.wait_dma2 semaphore(%arg23 : memref<!tpu.dma_semaphore, #tpu.memory_space<semaphore_mem>>) src(%dma_wait3A_412 : memref<64x128xf32, #tpu.memory_space<hbm>>) dst(%arg13 : memref<64x128xf32, #tpu.memory_space<vmem>>)
        %and3A_413 = arith.constant 127 : i32
        %and3A_414 = arith.andi %squeeze3A_402, %and3A_413 : i32
        %broadcast_in_dim3A_415 = vector.broadcast %and3A_414 : i32 to vector<16xi32>
        %broadcast_in_dim3A_416 = vector.broadcast %add3A_406 : i32 to vector<16xi32>
        %gather3A_417 = tpu.vector_load_idx %arg13[%add3A_7, %broadcast_in_dim3A_415] : memref<64x128xf32, #tpu.memory_space<vmem>>[vector<16xi32>, vector<16xi32>], vector<16xf32>,
        tpu.vector_store_idx %arg19[%add3A_7, %broadcast_in_dim3A_416], %gather3A_417 : memref<64x128xf32, #tpu.memory_space<vmem>>[vector<16xi32>, vector<16xi32>], vector<16xf32>,
        %gather3A_418 = tpu.vector_load_idx %arg13[%add3A_10, %broadcast_in_dim3A_415] : memref<64x128xf32, #tpu.memory_space<vmem>>[vector<16xi32>, vector<16xi32>], vector<16xf32>,
        tpu.vector_store_idx %arg19[%add3A_10, %broadcast_in_dim3A_416], %gather3A_418 : memref<64x128xf32, #tpu.memory_space<vmem>>[vector<16xi32>, vector<16xi32>], vector<16xf32>,
        %gather3A_419 = tpu.vector_load_idx %arg13[%add3A_13, %broadcast_in_dim3A_415] : memref<64x128xf32, #tpu.memory_space<vmem>>[vector<16xi32>, vector<16xi32>], vector<16xf32>,
        tpu.vector_store_idx %arg19[%add3A_13, %broadcast_in_dim3A_416], %gather3A_419 : memref<64x128xf32, #tpu.memory_space<vmem>>[vector<16xi32>, vector<16xi32>], vector<16xf32>,
        %gather3A_420 = tpu.vector_load_idx %arg13[%add3A_16, %broadcast_in_dim3A_415] : memref<64x128xf32, #tpu.memory_space<vmem>>[vector<16xi32>, vector<16xi32>], vector<16xf32>,
        tpu.vector_store_idx %arg19[%add3A_16, %broadcast_in_dim3A_416], %gather3A_420 : memref<64x128xf32, #tpu.memory_space<vmem>>[vector<16xi32>, vector<16xi32>], vector<16xf32>,
        %slice3A_421 = vector.extract_strided_slice %get3A_340 {offsets = [2], sizes = [1], strides = [1]} : vector<16xi32> to vector<1xi32>
        %squeeze3A_422 = vector.extract %slice3A_421[0] : i32 from vector<1xi32>
        %and3A_423 = arith.constant 127 : i32
        %and3A_424 = arith.andi %squeeze3A_422, %and3A_423 : i32
        %sub3A_425 = arith.subi %squeeze3A_422, %and3A_424 : i32
        %multiple_of3A_426 = tpu.assume_multiple %sub3A_425, 128 : i32
        %dma_start3A_427 = arith.constant 0 : i32
        %dma_start3A_428 = tpu.memref_slice %arg5[%dma_start3A_427, %multiple_of3A_426] : memref<64x1000000xf32, #tpu.memory_space<hbm>> -> memref<64x128xf32, #tpu.memory_space<hbm>>
        %dma_start3A_429 = arith.constant 0 : i32
        %dma_start3A_430 = tpu.memref_slice %arg5[%dma_start3A_429, %multiple_of3A_426] : memref<64x1000000xf32, #tpu.memory_space<hbm>> -> memref<64x128xf32, #tpu.memory_space<hbm>>
        tpu.enqueue_dma source(%dma_start3A_430 : memref<64x128xf32, #tpu.memory_space<hbm>>) target(%arg13 : memref<64x128xf32, #tpu.memory_space<vmem>>) target_semaphore(%arg23 : memref<!tpu.dma_semaphore, #tpu.memory_space<semaphore_mem>>)
        %slice3A_431 = vector.extract_strided_slice %get3A_104 {offsets = [11], sizes = [1], strides = [1]} : vector<16xi32> to vector<1xi32>
        %squeeze3A_432 = vector.extract %slice3A_431[0] : i32 from vector<1xi32>
        %add3A_433 = arith.constant 3 : i32
        %add3A_434 = arith.addi %mul3A_106, %add3A_433 : i32
        %add3A_435 = arith.constant 8 : i32
        %add3A_436 = arith.addi %add3A_434, %add3A_435 : i32
        %dma_wait3A_437 = arith.constant 0 : i32
        %dma_wait3A_438 = arith.constant 0 : i32
        %dma_wait3A_439 = tpu.memref_slice %arg5[%dma_wait3A_437, %dma_wait3A_438] : memref<64x1000000xf32, #tpu.memory_space<hbm>> -> memref<64x128xf32, #tpu.memory_space<hbm>>
        %dma_wait3A_440 = arith.constant 0 : i32
        %dma_wait3A_441 = arith.constant 0 : i32
        %dma_wait3A_442 = tpu.memref_slice %arg5[%dma_wait3A_440, %dma_wait3A_441] : memref<64x1000000xf32, #tpu.memory_space<hbm>> -> memref<64x128xf32, #tpu.memory_space<hbm>>
        tpu.wait_dma2 semaphore(%arg24 : memref<!tpu.dma_semaphore, #tpu.memory_space<semaphore_mem>>) src(%dma_wait3A_442 : memref<64x128xf32, #tpu.memory_space<hbm>>) dst(%arg14 : memref<64x128xf32, #tpu.memory_space<vmem>>)
        %and3A_443 = arith.constant 127 : i32
        %and3A_444 = arith.andi %squeeze3A_432, %and3A_443 : i32
        %broadcast_in_dim3A_445 = vector.broadcast %and3A_444 : i32 to vector<16xi32>
        %broadcast_in_dim3A_446 = vector.broadcast %add3A_436 : i32 to vector<16xi32>
        %gather3A_447 = tpu.vector_load_idx %arg14[%add3A_7, %broadcast_in_dim3A_445] : memref<64x128xf32, #tpu.memory_space<vmem>>[vector<16xi32>, vector<16xi32>], vector<16xf32>,
        tpu.vector_store_idx %arg19[%add3A_7, %broadcast_in_dim3A_446], %gather3A_447 : memref<64x128xf32, #tpu.memory_space<vmem>>[vector<16xi32>, vector<16xi32>], vector<16xf32>,
        %gather3A_448 = tpu.vector_load_idx %arg14[%add3A_10, %broadcast_in_dim3A_445] : memref<64x128xf32, #tpu.memory_space<vmem>>[vector<16xi32>, vector<16xi32>], vector<16xf32>,
        tpu.vector_store_idx %arg19[%add3A_10, %broadcast_in_dim3A_446], %gather3A_448 : memref<64x128xf32, #tpu.memory_space<vmem>>[vector<16xi32>, vector<16xi32>], vector<16xf32>,
        %gather3A_449 = tpu.vector_load_idx %arg14[%add3A_13, %broadcast_in_dim3A_445] : memref<64x128xf32, #tpu.memory_space<vmem>>[vector<16xi32>, vector<16xi32>], vector<16xf32>,
        tpu.vector_store_idx %arg19[%add3A_13, %broadcast_in_dim3A_446], %gather3A_449 : memref<64x128xf32, #tpu.memory_space<vmem>>[vector<16xi32>, vector<16xi32>], vector<16xf32>,
        %gather3A_450 = tpu.vector_load_idx %arg14[%add3A_16, %broadcast_in_dim3A_445] : memref<64x128xf32, #tpu.memory_space<vmem>>[vector<16xi32>, vector<16xi32>], vector<16xf32>,
        tpu.vector_store_idx %arg19[%add3A_16, %broadcast_in_dim3A_446], %gather3A_450 : memref<64x128xf32, #tpu.memory_space<vmem>>[vector<16xi32>, vector<16xi32>], vector<16xf32>,
        %slice3A_451 = vector.extract_strided_slice %get3A_340 {offsets = [3], sizes = [1], strides = [1]} : vector<16xi32> to vector<1xi32>
        %squeeze3A_452 = vector.extract %slice3A_451[0] : i32 from vector<1xi32>
        %and3A_453 = arith.constant 127 : i32
        %and3A_454 = arith.andi %squeeze3A_452, %and3A_453 : i32
        %sub3A_455 = arith.subi %squeeze3A_452, %and3A_454 : i32
        %multiple_of3A_456 = tpu.assume_multiple %sub3A_455, 128 : i32
        %dma_start3A_457 = arith.constant 0 : i32
        %dma_start3A_458 = tpu.memref_slice %arg5[%dma_start3A_457, %multiple_of3A_456] : memref<64x1000000xf32, #tpu.memory_space<hbm>> -> memref<64x128xf32, #tpu.memory_space<hbm>>
        %dma_start3A_459 = arith.constant 0 : i32
        %dma_start3A_460 = tpu.memref_slice %arg5[%dma_start3A_459, %multiple_of3A_456] : memref<64x1000000xf32, #tpu.memory_space<hbm>> -> memref<64x128xf32, #tpu.memory_space<hbm>>
        tpu.enqueue_dma source(%dma_start3A_460 : memref<64x128xf32, #tpu.memory_space<hbm>>) target(%arg14 : memref<64x128xf32, #tpu.memory_space<vmem>>) target_semaphore(%arg24 : memref<!tpu.dma_semaphore, #tpu.memory_space<semaphore_mem>>)
        %slice3A_461 = vector.extract_strided_slice %get3A_104 {offsets = [12], sizes = [1], strides = [1]} : vector<16xi32> to vector<1xi32>
        %squeeze3A_462 = vector.extract %slice3A_461[0] : i32 from vector<1xi32>
        %add3A_463 = arith.constant 4 : i32
        %add3A_464 = arith.addi %mul3A_106, %add3A_463 : i32
        %add3A_465 = arith.constant 8 : i32
        %add3A_466 = arith.addi %add3A_464, %add3A_465 : i32
        %dma_wait3A_467 = arith.constant 0 : i32
        %dma_wait3A_468 = arith.constant 0 : i32
        %dma_wait3A_469 = tpu.memref_slice %arg5[%dma_wait3A_467, %dma_wait3A_468] : memref<64x1000000xf32, #tpu.memory_space<hbm>> -> memref<64x128xf32, #tpu.memory_space<hbm>>
        %dma_wait3A_470 = arith.constant 0 : i32
        %dma_wait3A_471 = arith.constant 0 : i32
        %dma_wait3A_472 = tpu.memref_slice %arg5[%dma_wait3A_470, %dma_wait3A_471] : memref<64x1000000xf32, #tpu.memory_space<hbm>> -> memref<64x128xf32, #tpu.memory_space<hbm>>
        tpu.wait_dma2 semaphore(%arg25 : memref<!tpu.dma_semaphore, #tpu.memory_space<semaphore_mem>>) src(%dma_wait3A_472 : memref<64x128xf32, #tpu.memory_space<hbm>>) dst(%arg15 : memref<64x128xf32, #tpu.memory_space<vmem>>)
        %and3A_473 = arith.constant 127 : i32
        %and3A_474 = arith.andi %squeeze3A_462, %and3A_473 : i32
        %broadcast_in_dim3A_475 = vector.broadcast %and3A_474 : i32 to vector<16xi32>
        %broadcast_in_dim3A_476 = vector.broadcast %add3A_466 : i32 to vector<16xi32>
        %gather3A_477 = tpu.vector_load_idx %arg15[%add3A_7, %broadcast_in_dim3A_475] : memref<64x128xf32, #tpu.memory_space<vmem>>[vector<16xi32>, vector<16xi32>], vector<16xf32>,
        tpu.vector_store_idx %arg19[%add3A_7, %broadcast_in_dim3A_476], %gather3A_477 : memref<64x128xf32, #tpu.memory_space<vmem>>[vector<16xi32>, vector<16xi32>], vector<16xf32>,
        %gather3A_478 = tpu.vector_load_idx %arg15[%add3A_10, %broadcast_in_dim3A_475] : memref<64x128xf32, #tpu.memory_space<vmem>>[vector<16xi32>, vector<16xi32>], vector<16xf32>,
        tpu.vector_store_idx %arg19[%add3A_10, %broadcast_in_dim3A_476], %gather3A_478 : memref<64x128xf32, #tpu.memory_space<vmem>>[vector<16xi32>, vector<16xi32>], vector<16xf32>,
        %gather3A_479 = tpu.vector_load_idx %arg15[%add3A_13, %broadcast_in_dim3A_475] : memref<64x128xf32, #tpu.memory_space<vmem>>[vector<16xi32>, vector<16xi32>], vector<16xf32>,
        tpu.vector_store_idx %arg19[%add3A_13, %broadcast_in_dim3A_476], %gather3A_479 : memref<64x128xf32, #tpu.memory_space<vmem>>[vector<16xi32>, vector<16xi32>], vector<16xf32>,
        %gather3A_480 = tpu.vector_load_idx %arg15[%add3A_16, %broadcast_in_dim3A_475] : memref<64x128xf32, #tpu.memory_space<vmem>>[vector<16xi32>, vector<16xi32>], vector<16xf32>,
        tpu.vector_store_idx %arg19[%add3A_16, %broadcast_in_dim3A_476], %gather3A_480 : memref<64x128xf32, #tpu.memory_space<vmem>>[vector<16xi32>, vector<16xi32>], vector<16xf32>,
        %slice3A_481 = vector.extract_strided_slice %get3A_340 {offsets = [4], sizes = [1], strides = [1]} : vector<16xi32> to vector<1xi32>
        %squeeze3A_482 = vector.extract %slice3A_481[0] : i32 from vector<1xi32>
        %and3A_483 = arith.constant 127 : i32
        %and3A_484 = arith.andi %squeeze3A_482, %and3A_483 : i32
        %sub3A_485 = arith.subi %squeeze3A_482, %and3A_484 : i32
        %multiple_of3A_486 = tpu.assume_multiple %sub3A_485, 128 : i32
        %dma_start3A_487 = arith.constant 0 : i32
        %dma_start3A_488 = tpu.memref_slice %arg5[%dma_start3A_487, %multiple_of3A_486] : memref<64x1000000xf32, #tpu.memory_space<hbm>> -> memref<64x128xf32, #tpu.memory_space<hbm>>
        %dma_start3A_489 = arith.constant 0 : i32
        %dma_start3A_490 = tpu.memref_slice %arg5[%dma_start3A_489, %multiple_of3A_486] : memref<64x1000000xf32, #tpu.memory_space<hbm>> -> memref<64x128xf32, #tpu.memory_space<hbm>>
        tpu.enqueue_dma source(%dma_start3A_490 : memref<64x128xf32, #tpu.memory_space<hbm>>) target(%arg15 : memref<64x128xf32, #tpu.memory_space<vmem>>) target_semaphore(%arg25 : memref<!tpu.dma_semaphore, #tpu.memory_space<semaphore_mem>>)
        %slice3A_491 = vector.extract_strided_slice %get3A_104 {offsets = [13], sizes = [1], strides = [1]} : vector<16xi32> to vector<1xi32>
        %squeeze3A_492 = vector.extract %slice3A_491[0] : i32 from vector<1xi32>
        %add3A_493 = arith.constant 5 : i32
        %add3A_494 = arith.addi %mul3A_106, %add3A_493 : i32
        %add3A_495 = arith.constant 8 : i32
        %add3A_496 = arith.addi %add3A_494, %add3A_495 : i32
        %dma_wait3A_497 = arith.constant 0 : i32
        %dma_wait3A_498 = arith.constant 0 : i32
        %dma_wait3A_499 = tpu.memref_slice %arg5[%dma_wait3A_497, %dma_wait3A_498] : memref<64x1000000xf32, #tpu.memory_space<hbm>> -> memref<64x128xf32, #tpu.memory_space<hbm>>
        %dma_wait3A_500 = arith.constant 0 : i32
        %dma_wait3A_501 = arith.constant 0 : i32
        %dma_wait3A_502 = tpu.memref_slice %arg5[%dma_wait3A_500, %dma_wait3A_501] : memref<64x1000000xf32, #tpu.memory_space<hbm>> -> memref<64x128xf32, #tpu.memory_space<hbm>>
        tpu.wait_dma2 semaphore(%arg26 : memref<!tpu.dma_semaphore, #tpu.memory_space<semaphore_mem>>) src(%dma_wait3A_502 : memref<64x128xf32, #tpu.memory_space<hbm>>) dst(%arg16 : memref<64x128xf32, #tpu.memory_space<vmem>>)
        %and3A_503 = arith.constant 127 : i32
        %and3A_504 = arith.andi %squeeze3A_492, %and3A_503 : i32
        %broadcast_in_dim3A_505 = vector.broadcast %and3A_504 : i32 to vector<16xi32>
        %broadcast_in_dim3A_506 = vector.broadcast %add3A_496 : i32 to vector<16xi32>
        %gather3A_507 = tpu.vector_load_idx %arg16[%add3A_7, %broadcast_in_dim3A_505] : memref<64x128xf32, #tpu.memory_space<vmem>>[vector<16xi32>, vector<16xi32>], vector<16xf32>,
        tpu.vector_store_idx %arg19[%add3A_7, %broadcast_in_dim3A_506], %gather3A_507 : memref<64x128xf32, #tpu.memory_space<vmem>>[vector<16xi32>, vector<16xi32>], vector<16xf32>,
        %gather3A_508 = tpu.vector_load_idx %arg16[%add3A_10, %broadcast_in_dim3A_505] : memref<64x128xf32, #tpu.memory_space<vmem>>[vector<16xi32>, vector<16xi32>], vector<16xf32>,
        tpu.vector_store_idx %arg19[%add3A_10, %broadcast_in_dim3A_506], %gather3A_508 : memref<64x128xf32, #tpu.memory_space<vmem>>[vector<16xi32>, vector<16xi32>], vector<16xf32>,
        %gather3A_509 = tpu.vector_load_idx %arg16[%add3A_13, %broadcast_in_dim3A_505] : memref<64x128xf32, #tpu.memory_space<vmem>>[vector<16xi32>, vector<16xi32>], vector<16xf32>,
        tpu.vector_store_idx %arg19[%add3A_13, %broadcast_in_dim3A_506], %gather3A_509 : memref<64x128xf32, #tpu.memory_space<vmem>>[vector<16xi32>, vector<16xi32>], vector<16xf32>,
        %gather3A_510 = tpu.vector_load_idx %arg16[%add3A_16, %broadcast_in_dim3A_505] : memref<64x128xf32, #tpu.memory_space<vmem>>[vector<16xi32>, vector<16xi32>], vector<16xf32>,
        tpu.vector_store_idx %arg19[%add3A_16, %broadcast_in_dim3A_506], %gather3A_510 : memref<64x128xf32, #tpu.memory_space<vmem>>[vector<16xi32>, vector<16xi32>], vector<16xf32>,
        %slice3A_511 = vector.extract_strided_slice %get3A_340 {offsets = [5], sizes = [1], strides = [1]} : vector<16xi32> to vector<1xi32>
        %squeeze3A_512 = vector.extract %slice3A_511[0] : i32 from vector<1xi32>
        %and3A_513 = arith.constant 127 : i32
        %and3A_514 = arith.andi %squeeze3A_512, %and3A_513 : i32
        %sub3A_515 = arith.subi %squeeze3A_512, %and3A_514 : i32
        %multiple_of3A_516 = tpu.assume_multiple %sub3A_515, 128 : i32
        %dma_start3A_517 = arith.constant 0 : i32
        %dma_start3A_518 = tpu.memref_slice %arg5[%dma_start3A_517, %multiple_of3A_516] : memref<64x1000000xf32, #tpu.memory_space<hbm>> -> memref<64x128xf32, #tpu.memory_space<hbm>>
        %dma_start3A_519 = arith.constant 0 : i32
        %dma_start3A_520 = tpu.memref_slice %arg5[%dma_start3A_519, %multiple_of3A_516] : memref<64x1000000xf32, #tpu.memory_space<hbm>> -> memref<64x128xf32, #tpu.memory_space<hbm>>
        tpu.enqueue_dma source(%dma_start3A_520 : memref<64x128xf32, #tpu.memory_space<hbm>>) target(%arg16 : memref<64x128xf32, #tpu.memory_space<vmem>>) target_semaphore(%arg26 : memref<!tpu.dma_semaphore, #tpu.memory_space<semaphore_mem>>)
        %slice3A_521 = vector.extract_strided_slice %get3A_104 {offsets = [14], sizes = [1], strides = [1]} : vector<16xi32> to vector<1xi32>
        %squeeze3A_522 = vector.extract %slice3A_521[0] : i32 from vector<1xi32>
        %add3A_523 = arith.constant 6 : i32
        %add3A_524 = arith.addi %mul3A_106, %add3A_523 : i32
        %add3A_525 = arith.constant 8 : i32
        %add3A_526 = arith.addi %add3A_524, %add3A_525 : i32
        %dma_wait3A_527 = arith.constant 0 : i32
        %dma_wait3A_528 = arith.constant 0 : i32
        %dma_wait3A_529 = tpu.memref_slice %arg5[%dma_wait3A_527, %dma_wait3A_528] : memref<64x1000000xf32, #tpu.memory_space<hbm>> -> memref<64x128xf32, #tpu.memory_space<hbm>>
        %dma_wait3A_530 = arith.constant 0 : i32
        %dma_wait3A_531 = arith.constant 0 : i32
        %dma_wait3A_532 = tpu.memref_slice %arg5[%dma_wait3A_530, %dma_wait3A_531] : memref<64x1000000xf32, #tpu.memory_space<hbm>> -> memref<64x128xf32, #tpu.memory_space<hbm>>
        tpu.wait_dma2 semaphore(%arg27 : memref<!tpu.dma_semaphore, #tpu.memory_space<semaphore_mem>>) src(%dma_wait3A_532 : memref<64x128xf32, #tpu.memory_space<hbm>>) dst(%arg17 : memref<64x128xf32, #tpu.memory_space<vmem>>)
        %and3A_533 = arith.constant 127 : i32
        %and3A_534 = arith.andi %squeeze3A_522, %and3A_533 : i32
        %broadcast_in_dim3A_535 = vector.broadcast %and3A_534 : i32 to vector<16xi32>
        %broadcast_in_dim3A_536 = vector.broadcast %add3A_526 : i32 to vector<16xi32>
        %gather3A_537 = tpu.vector_load_idx %arg17[%add3A_7, %broadcast_in_dim3A_535] : memref<64x128xf32, #tpu.memory_space<vmem>>[vector<16xi32>, vector<16xi32>], vector<16xf32>,
        tpu.vector_store_idx %arg19[%add3A_7, %broadcast_in_dim3A_536], %gather3A_537 : memref<64x128xf32, #tpu.memory_space<vmem>>[vector<16xi32>, vector<16xi32>], vector<16xf32>,
        %gather3A_538 = tpu.vector_load_idx %arg17[%add3A_10, %broadcast_in_dim3A_535] : memref<64x128xf32, #tpu.memory_space<vmem>>[vector<16xi32>, vector<16xi32>], vector<16xf32>,
        tpu.vector_store_idx %arg19[%add3A_10, %broadcast_in_dim3A_536], %gather3A_538 : memref<64x128xf32, #tpu.memory_space<vmem>>[vector<16xi32>, vector<16xi32>], vector<16xf32>,
        %gather3A_539 = tpu.vector_load_idx %arg17[%add3A_13, %broadcast_in_dim3A_535] : memref<64x128xf32, #tpu.memory_space<vmem>>[vector<16xi32>, vector<16xi32>], vector<16xf32>,
        tpu.vector_store_idx %arg19[%add3A_13, %broadcast_in_dim3A_536], %gather3A_539 : memref<64x128xf32, #tpu.memory_space<vmem>>[vector<16xi32>, vector<16xi32>], vector<16xf32>,
        %gather3A_540 = tpu.vector_load_idx %arg17[%add3A_16, %broadcast_in_dim3A_535] : memref<64x128xf32, #tpu.memory_space<vmem>>[vector<16xi32>, vector<16xi32>], vector<16xf32>,
        tpu.vector_store_idx %arg19[%add3A_16, %broadcast_in_dim3A_536], %gather3A_540 : memref<64x128xf32, #tpu.memory_space<vmem>>[vector<16xi32>, vector<16xi32>], vector<16xf32>,
        %slice3A_541 = vector.extract_strided_slice %get3A_340 {offsets = [6], sizes = [1], strides = [1]} : vector<16xi32> to vector<1xi32>
        %squeeze3A_542 = vector.extract %slice3A_541[0] : i32 from vector<1xi32>
        %and3A_543 = arith.constant 127 : i32
        %and3A_544 = arith.andi %squeeze3A_542, %and3A_543 : i32
        %sub3A_545 = arith.subi %squeeze3A_542, %and3A_544 : i32
        %multiple_of3A_546 = tpu.assume_multiple %sub3A_545, 128 : i32
        %dma_start3A_547 = arith.constant 0 : i32
        %dma_start3A_548 = tpu.memref_slice %arg5[%dma_start3A_547, %multiple_of3A_546] : memref<64x1000000xf32, #tpu.memory_space<hbm>> -> memref<64x128xf32, #tpu.memory_space<hbm>>
        %dma_start3A_549 = arith.constant 0 : i32
        %dma_start3A_550 = tpu.memref_slice %arg5[%dma_start3A_549, %multiple_of3A_546] : memref<64x1000000xf32, #tpu.memory_space<hbm>> -> memref<64x128xf32, #tpu.memory_space<hbm>>
        tpu.enqueue_dma source(%dma_start3A_550 : memref<64x128xf32, #tpu.memory_space<hbm>>) target(%arg17 : memref<64x128xf32, #tpu.memory_space<vmem>>) target_semaphore(%arg27 : memref<!tpu.dma_semaphore, #tpu.memory_space<semaphore_mem>>)
        %slice3A_551 = vector.extract_strided_slice %get3A_104 {offsets = [15], sizes = [1], strides = [1]} : vector<16xi32> to vector<1xi32>
        %squeeze3A_552 = vector.extract %slice3A_551[0] : i32 from vector<1xi32>
        %add3A_553 = arith.constant 7 : i32
        %add3A_554 = arith.addi %mul3A_106, %add3A_553 : i32
        %add3A_555 = arith.constant 8 : i32
        %add3A_556 = arith.addi %add3A_554, %add3A_555 : i32
        %dma_wait3A_557 = arith.constant 0 : i32
        %dma_wait3A_558 = arith.constant 0 : i32
        %dma_wait3A_559 = tpu.memref_slice %arg5[%dma_wait3A_557, %dma_wait3A_558] : memref<64x1000000xf32, #tpu.memory_space<hbm>> -> memref<64x128xf32, #tpu.memory_space<hbm>>
        %dma_wait3A_560 = arith.constant 0 : i32
        %dma_wait3A_561 = arith.constant 0 : i32
        %dma_wait3A_562 = tpu.memref_slice %arg5[%dma_wait3A_560, %dma_wait3A_561] : memref<64x1000000xf32, #tpu.memory_space<hbm>> -> memref<64x128xf32, #tpu.memory_space<hbm>>
        tpu.wait_dma2 semaphore(%arg28 : memref<!tpu.dma_semaphore, #tpu.memory_space<semaphore_mem>>) src(%dma_wait3A_562 : memref<64x128xf32, #tpu.memory_space<hbm>>) dst(%arg18 : memref<64x128xf32, #tpu.memory_space<vmem>>)
        %and3A_563 = arith.constant 127 : i32
        %and3A_564 = arith.andi %squeeze3A_552, %and3A_563 : i32
        %broadcast_in_dim3A_565 = vector.broadcast %and3A_564 : i32 to vector<16xi32>
        %broadcast_in_dim3A_566 = vector.broadcast %add3A_556 : i32 to vector<16xi32>
        %gather3A_567 = tpu.vector_load_idx %arg18[%add3A_7, %broadcast_in_dim3A_565] : memref<64x128xf32, #tpu.memory_space<vmem>>[vector<16xi32>, vector<16xi32>], vector<16xf32>,
        tpu.vector_store_idx %arg19[%add3A_7, %broadcast_in_dim3A_566], %gather3A_567 : memref<64x128xf32, #tpu.memory_space<vmem>>[vector<16xi32>, vector<16xi32>], vector<16xf32>,
        %gather3A_568 = tpu.vector_load_idx %arg18[%add3A_10, %broadcast_in_dim3A_565] : memref<64x128xf32, #tpu.memory_space<vmem>>[vector<16xi32>, vector<16xi32>], vector<16xf32>,
        tpu.vector_store_idx %arg19[%add3A_10, %broadcast_in_dim3A_566], %gather3A_568 : memref<64x128xf32, #tpu.memory_space<vmem>>[vector<16xi32>, vector<16xi32>], vector<16xf32>,
        %gather3A_569 = tpu.vector_load_idx %arg18[%add3A_13, %broadcast_in_dim3A_565] : memref<64x128xf32, #tpu.memory_space<vmem>>[vector<16xi32>, vector<16xi32>], vector<16xf32>,
        tpu.vector_store_idx %arg19[%add3A_13, %broadcast_in_dim3A_566], %gather3A_569 : memref<64x128xf32, #tpu.memory_space<vmem>>[vector<16xi32>, vector<16xi32>], vector<16xf32>,
        %gather3A_570 = tpu.vector_load_idx %arg18[%add3A_16, %broadcast_in_dim3A_565] : memref<64x128xf32, #tpu.memory_space<vmem>>[vector<16xi32>, vector<16xi32>], vector<16xf32>,
        tpu.vector_store_idx %arg19[%add3A_16, %broadcast_in_dim3A_566], %gather3A_570 : memref<64x128xf32, #tpu.memory_space<vmem>>[vector<16xi32>, vector<16xi32>], vector<16xf32>,
        %slice3A_571 = vector.extract_strided_slice %get3A_340 {offsets = [7], sizes = [1], strides = [1]} : vector<16xi32> to vector<1xi32>
        %squeeze3A_572 = vector.extract %slice3A_571[0] : i32 from vector<1xi32>
        %and3A_573 = arith.constant 127 : i32
        %and3A_574 = arith.andi %squeeze3A_572, %and3A_573 : i32
        %sub3A_575 = arith.subi %squeeze3A_572, %and3A_574 : i32
        %multiple_of3A_576 = tpu.assume_multiple %sub3A_575, 128 : i32
        %dma_start3A_577 = arith.constant 0 : i32
        %dma_start3A_578 = tpu.memref_slice %arg5[%dma_start3A_577, %multiple_of3A_576] : memref<64x1000000xf32, #tpu.memory_space<hbm>> -> memref<64x128xf32, #tpu.memory_space<hbm>>
        %dma_start3A_579 = arith.constant 0 : i32
        %dma_start3A_580 = tpu.memref_slice %arg5[%dma_start3A_579, %multiple_of3A_576] : memref<64x1000000xf32, #tpu.memory_space<hbm>> -> memref<64x128xf32, #tpu.memory_space<hbm>>
        tpu.enqueue_dma source(%dma_start3A_580 : memref<64x128xf32, #tpu.memory_space<hbm>>) target(%arg18 : memref<64x128xf32, #tpu.memory_space<vmem>>) target_semaphore(%arg28 : memref<!tpu.dma_semaphore, #tpu.memory_space<semaphore_mem>>)
      } else {
      }
      %eq3A = arith.constant 7 : i32
      %eq3A_331 = arith.cmpi eq, %scan3A_100, %eq3A : i32
      %convert_element_type3A_332 = arith.extui %eq3A_331 : i1 to i32
      %cond3A_333 = arith.constant 0 : i32
      %cond3A_334 = arith.cmpi ne, %convert_element_type3A_332, %cond3A_333 : i32
      scf.if %cond3A_334 {
        %slice3A_335 = vector.extract_strided_slice %get3A_104 {offsets = [8], sizes = [1], strides = [1]} : vector<16xi32> to vector<1xi32>
        %squeeze3A_336 = vector.extract %slice3A_335[0] : i32 from vector<1xi32>
        %add3A_337 = arith.constant 0 : i32
        %add3A_338 = arith.addi %mul3A_106, %add3A_337 : i32
        %add3A_339 = arith.constant 8 : i32
        %add3A_340 = arith.addi %add3A_338, %add3A_339 : i32
        %dma_wait3A_341 = arith.constant 0 : i32
        %dma_wait3A_342 = arith.constant 0 : i32
        %dma_wait3A_343 = tpu.memref_slice %arg5[%dma_wait3A_341, %dma_wait3A_342] : memref<64x1000000xf32, #tpu.memory_space<hbm>> -> memref<64x128xf32, #tpu.memory_space<hbm>>
        %dma_wait3A_344 = arith.constant 0 : i32
        %dma_wait3A_345 = arith.constant 0 : i32
        %dma_wait3A_346 = tpu.memref_slice %arg5[%dma_wait3A_344, %dma_wait3A_345] : memref<64x1000000xf32, #tpu.memory_space<hbm>> -> memref<64x128xf32, #tpu.memory_space<hbm>>
        tpu.wait_dma2 semaphore(%arg21 : memref<!tpu.dma_semaphore, #tpu.memory_space<semaphore_mem>>) src(%dma_wait3A_346 : memref<64x128xf32, #tpu.memory_space<hbm>>) dst(%arg11 : memref<64x128xf32, #tpu.memory_space<vmem>>)
        %and3A_347 = arith.constant 127 : i32
        %and3A_348 = arith.andi %squeeze3A_336, %and3A_347 : i32
        %broadcast_in_dim3A_349 = vector.broadcast %and3A_348 : i32 to vector<16xi32>
        %broadcast_in_dim3A_350 = vector.broadcast %add3A_340 : i32 to vector<16xi32>
        %gather3A_351 = tpu.vector_load_idx %arg11[%add3A_7, %broadcast_in_dim3A_349] : memref<64x128xf32, #tpu.memory_space<vmem>>[vector<16xi32>, vector<16xi32>], vector<16xf32>,
        tpu.vector_store_idx %arg19[%add3A_7, %broadcast_in_dim3A_350], %gather3A_351 : memref<64x128xf32, #tpu.memory_space<vmem>>[vector<16xi32>, vector<16xi32>], vector<16xf32>,
        %gather3A_352 = tpu.vector_load_idx %arg11[%add3A_10, %broadcast_in_dim3A_349] : memref<64x128xf32, #tpu.memory_space<vmem>>[vector<16xi32>, vector<16xi32>], vector<16xf32>,
        tpu.vector_store_idx %arg19[%add3A_10, %broadcast_in_dim3A_350], %gather3A_352 : memref<64x128xf32, #tpu.memory_space<vmem>>[vector<16xi32>, vector<16xi32>], vector<16xf32>,
        %gather3A_353 = tpu.vector_load_idx %arg11[%add3A_13, %broadcast_in_dim3A_349] : memref<64x128xf32, #tpu.memory_space<vmem>>[vector<16xi32>, vector<16xi32>], vector<16xf32>,
        tpu.vector_store_idx %arg19[%add3A_13, %broadcast_in_dim3A_350], %gather3A_353 : memref<64x128xf32, #tpu.memory_space<vmem>>[vector<16xi32>, vector<16xi32>], vector<16xf32>,
        %gather3A_354 = tpu.vector_load_idx %arg11[%add3A_16, %broadcast_in_dim3A_349] : memref<64x128xf32, #tpu.memory_space<vmem>>[vector<16xi32>, vector<16xi32>], vector<16xf32>,
        tpu.vector_store_idx %arg19[%add3A_16, %broadcast_in_dim3A_350], %gather3A_354 : memref<64x128xf32, #tpu.memory_space<vmem>>[vector<16xi32>, vector<16xi32>], vector<16xf32>,
        %slice3A_355 = vector.extract_strided_slice %get3A_104 {offsets = [9], sizes = [1], strides = [1]} : vector<16xi32> to vector<1xi32>
        %squeeze3A_356 = vector.extract %slice3A_355[0] : i32 from vector<1xi32>
        %add3A_357 = arith.constant 1 : i32
        %add3A_358 = arith.addi %mul3A_106, %add3A_357 : i32
        %add3A_359 = arith.constant 8 : i32
        %add3A_360 = arith.addi %add3A_358, %add3A_359 : i32
        %dma_wait3A_361 = arith.constant 0 : i32
        %dma_wait3A_362 = arith.constant 0 : i32
        %dma_wait3A_363 = tpu.memref_slice %arg5[%dma_wait3A_361, %dma_wait3A_362] : memref<64x1000000xf32, #tpu.memory_space<hbm>> -> memref<64x128xf32, #tpu.memory_space<hbm>>
        %dma_wait3A_364 = arith.constant 0 : i32
        %dma_wait3A_365 = arith.constant 0 : i32
        %dma_wait3A_366 = tpu.memref_slice %arg5[%dma_wait3A_364, %dma_wait3A_365] : memref<64x1000000xf32, #tpu.memory_space<hbm>> -> memref<64x128xf32, #tpu.memory_space<hbm>>
        tpu.wait_dma2 semaphore(%arg22 : memref<!tpu.dma_semaphore, #tpu.memory_space<semaphore_mem>>) src(%dma_wait3A_366 : memref<64x128xf32, #tpu.memory_space<hbm>>) dst(%arg12 : memref<64x128xf32, #tpu.memory_space<vmem>>)
        %and3A_367 = arith.constant 127 : i32
        %and3A_368 = arith.andi %squeeze3A_356, %and3A_367 : i32
        %broadcast_in_dim3A_369 = vector.broadcast %and3A_368 : i32 to vector<16xi32>
        %broadcast_in_dim3A_370 = vector.broadcast %add3A_360 : i32 to vector<16xi32>
        %gather3A_371 = tpu.vector_load_idx %arg12[%add3A_7, %broadcast_in_dim3A_369] : memref<64x128xf32, #tpu.memory_space<vmem>>[vector<16xi32>, vector<16xi32>], vector<16xf32>,
        tpu.vector_store_idx %arg19[%add3A_7, %broadcast_in_dim3A_370], %gather3A_371 : memref<64x128xf32, #tpu.memory_space<vmem>>[vector<16xi32>, vector<16xi32>], vector<16xf32>,
        %gather3A_372 = tpu.vector_load_idx %arg12[%add3A_10, %broadcast_in_dim3A_369] : memref<64x128xf32, #tpu.memory_space<vmem>>[vector<16xi32>, vector<16xi32>], vector<16xf32>,
        tpu.vector_store_idx %arg19[%add3A_10, %broadcast_in_dim3A_370], %gather3A_372 : memref<64x128xf32, #tpu.memory_space<vmem>>[vector<16xi32>, vector<16xi32>], vector<16xf32>,
        %gather3A_373 = tpu.vector_load_idx %arg12[%add3A_13, %broadcast_in_dim3A_369] : memref<64x128xf32, #tpu.memory_space<vmem>>[vector<16xi32>, vector<16xi32>], vector<16xf32>,
        tpu.vector_store_idx %arg19[%add3A_13, %broadcast_in_dim3A_370], %gather3A_373 : memref<64x128xf32, #tpu.memory_space<vmem>>[vector<16xi32>, vector<16xi32>], vector<16xf32>,
        %gather3A_374 = tpu.vector_load_idx %arg12[%add3A_16, %broadcast_in_dim3A_369] : memref<64x128xf32, #tpu.memory_space<vmem>>[vector<16xi32>, vector<16xi32>], vector<16xf32>,
        tpu.vector_store_idx %arg19[%add3A_16, %broadcast_in_dim3A_370], %gather3A_374 : memref<64x128xf32, #tpu.memory_space<vmem>>[vector<16xi32>, vector<16xi32>], vector<16xf32>,
        %slice3A_375 = vector.extract_strided_slice %get3A_104 {offsets = [10], sizes = [1], strides = [1]} : vector<16xi32> to vector<1xi32>
        %squeeze3A_376 = vector.extract %slice3A_375[0] : i32 from vector<1xi32>
        %add3A_377 = arith.constant 2 : i32
        %add3A_378 = arith.addi %mul3A_106, %add3A_377 : i32
        %add3A_379 = arith.constant 8 : i32
        %add3A_380 = arith.addi %add3A_378, %add3A_379 : i32
        %dma_wait3A_381 = arith.constant 0 : i32
        %dma_wait3A_382 = arith.constant 0 : i32
        %dma_wait3A_383 = tpu.memref_slice %arg5[%dma_wait3A_381, %dma_wait3A_382] : memref<64x1000000xf32, #tpu.memory_space<hbm>> -> memref<64x128xf32, #tpu.memory_space<hbm>>
        %dma_wait3A_384 = arith.constant 0 : i32
        %dma_wait3A_385 = arith.constant 0 : i32
        %dma_wait3A_386 = tpu.memref_slice %arg5[%dma_wait3A_384, %dma_wait3A_385] : memref<64x1000000xf32, #tpu.memory_space<hbm>> -> memref<64x128xf32, #tpu.memory_space<hbm>>
        tpu.wait_dma2 semaphore(%arg23 : memref<!tpu.dma_semaphore, #tpu.memory_space<semaphore_mem>>) src(%dma_wait3A_386 : memref<64x128xf32, #tpu.memory_space<hbm>>) dst(%arg13 : memref<64x128xf32, #tpu.memory_space<vmem>>)
        %and3A_387 = arith.constant 127 : i32
        %and3A_388 = arith.andi %squeeze3A_376, %and3A_387 : i32
        %broadcast_in_dim3A_389 = vector.broadcast %and3A_388 : i32 to vector<16xi32>
        %broadcast_in_dim3A_390 = vector.broadcast %add3A_380 : i32 to vector<16xi32>
        %gather3A_391 = tpu.vector_load_idx %arg13[%add3A_7, %broadcast_in_dim3A_389] : memref<64x128xf32, #tpu.memory_space<vmem>>[vector<16xi32>, vector<16xi32>], vector<16xf32>,
        tpu.vector_store_idx %arg19[%add3A_7, %broadcast_in_dim3A_390], %gather3A_391 : memref<64x128xf32, #tpu.memory_space<vmem>>[vector<16xi32>, vector<16xi32>], vector<16xf32>,
        %gather3A_392 = tpu.vector_load_idx %arg13[%add3A_10, %broadcast_in_dim3A_389] : memref<64x128xf32, #tpu.memory_space<vmem>>[vector<16xi32>, vector<16xi32>], vector<16xf32>,
        tpu.vector_store_idx %arg19[%add3A_10, %broadcast_in_dim3A_390], %gather3A_392 : memref<64x128xf32, #tpu.memory_space<vmem>>[vector<16xi32>, vector<16xi32>], vector<16xf32>,
        %gather3A_393 = tpu.vector_load_idx %arg13[%add3A_13, %broadcast_in_dim3A_389] : memref<64x128xf32, #tpu.memory_space<vmem>>[vector<16xi32>, vector<16xi32>], vector<16xf32>,
        tpu.vector_store_idx %arg19[%add3A_13, %broadcast_in_dim3A_390], %gather3A_393 : memref<64x128xf32, #tpu.memory_space<vmem>>[vector<16xi32>, vector<16xi32>], vector<16xf32>,
        %gather3A_394 = tpu.vector_load_idx %arg13[%add3A_16, %broadcast_in_dim3A_389] : memref<64x128xf32, #tpu.memory_space<vmem>>[vector<16xi32>, vector<16xi32>], vector<16xf32>,
        tpu.vector_store_idx %arg19[%add3A_16, %broadcast_in_dim3A_390], %gather3A_394 : memref<64x128xf32, #tpu.memory_space<vmem>>[vector<16xi32>, vector<16xi32>], vector<16xf32>,
        %slice3A_395 = vector.extract_strided_slice %get3A_104 {offsets = [11], sizes = [1], strides = [1]} : vector<16xi32> to vector<1xi32>
        %squeeze3A_396 = vector.extract %slice3A_395[0] : i32 from vector<1xi32>
        %add3A_397 = arith.constant 3 : i32
        %add3A_398 = arith.addi %mul3A_106, %add3A_397 : i32
        %add3A_399 = arith.constant 8 : i32
        %add3A_400 = arith.addi %add3A_398, %add3A_399 : i32
        %dma_wait3A_401 = arith.constant 0 : i32
        %dma_wait3A_402 = arith.constant 0 : i32
        %dma_wait3A_403 = tpu.memref_slice %arg5[%dma_wait3A_401, %dma_wait3A_402] : memref<64x1000000xf32, #tpu.memory_space<hbm>> -> memref<64x128xf32, #tpu.memory_space<hbm>>
        %dma_wait3A_404 = arith.constant 0 : i32
        %dma_wait3A_405 = arith.constant 0 : i32
        %dma_wait3A_406 = tpu.memref_slice %arg5[%dma_wait3A_404, %dma_wait3A_405] : memref<64x1000000xf32, #tpu.memory_space<hbm>> -> memref<64x128xf32, #tpu.memory_space<hbm>>
        tpu.wait_dma2 semaphore(%arg24 : memref<!tpu.dma_semaphore, #tpu.memory_space<semaphore_mem>>) src(%dma_wait3A_406 : memref<64x128xf32, #tpu.memory_space<hbm>>) dst(%arg14 : memref<64x128xf32, #tpu.memory_space<vmem>>)
        %and3A_407 = arith.constant 127 : i32
        %and3A_408 = arith.andi %squeeze3A_396, %and3A_407 : i32
        %broadcast_in_dim3A_409 = vector.broadcast %and3A_408 : i32 to vector<16xi32>
        %broadcast_in_dim3A_410 = vector.broadcast %add3A_400 : i32 to vector<16xi32>
        %gather3A_411 = tpu.vector_load_idx %arg14[%add3A_7, %broadcast_in_dim3A_409] : memref<64x128xf32, #tpu.memory_space<vmem>>[vector<16xi32>, vector<16xi32>], vector<16xf32>,
        tpu.vector_store_idx %arg19[%add3A_7, %broadcast_in_dim3A_410], %gather3A_411 : memref<64x128xf32, #tpu.memory_space<vmem>>[vector<16xi32>, vector<16xi32>], vector<16xf32>,
        %gather3A_412 = tpu.vector_load_idx %arg14[%add3A_10, %broadcast_in_dim3A_409] : memref<64x128xf32, #tpu.memory_space<vmem>>[vector<16xi32>, vector<16xi32>], vector<16xf32>,
        tpu.vector_store_idx %arg19[%add3A_10, %broadcast_in_dim3A_410], %gather3A_412 : memref<64x128xf32, #tpu.memory_space<vmem>>[vector<16xi32>, vector<16xi32>], vector<16xf32>,
        %gather3A_413 = tpu.vector_load_idx %arg14[%add3A_13, %broadcast_in_dim3A_409] : memref<64x128xf32, #tpu.memory_space<vmem>>[vector<16xi32>, vector<16xi32>], vector<16xf32>,
        tpu.vector_store_idx %arg19[%add3A_13, %broadcast_in_dim3A_410], %gather3A_413 : memref<64x128xf32, #tpu.memory_space<vmem>>[vector<16xi32>, vector<16xi32>], vector<16xf32>,
        %gather3A_414 = tpu.vector_load_idx %arg14[%add3A_16, %broadcast_in_dim3A_409] : memref<64x128xf32, #tpu.memory_space<vmem>>[vector<16xi32>, vector<16xi32>], vector<16xf32>,
        tpu.vector_store_idx %arg19[%add3A_16, %broadcast_in_dim3A_410], %gather3A_414 : memref<64x128xf32, #tpu.memory_space<vmem>>[vector<16xi32>, vector<16xi32>], vector<16xf32>,
        %slice3A_415 = vector.extract_strided_slice %get3A_104 {offsets = [12], sizes = [1], strides = [1]} : vector<16xi32> to vector<1xi32>
        %squeeze3A_416 = vector.extract %slice3A_415[0] : i32 from vector<1xi32>
        %add3A_417 = arith.constant 4 : i32
        %add3A_418 = arith.addi %mul3A_106, %add3A_417 : i32
        %add3A_419 = arith.constant 8 : i32
        %add3A_420 = arith.addi %add3A_418, %add3A_419 : i32
        %dma_wait3A_421 = arith.constant 0 : i32
        %dma_wait3A_422 = arith.constant 0 : i32
        %dma_wait3A_423 = tpu.memref_slice %arg5[%dma_wait3A_421, %dma_wait3A_422] : memref<64x1000000xf32, #tpu.memory_space<hbm>> -> memref<64x128xf32, #tpu.memory_space<hbm>>
        %dma_wait3A_424 = arith.constant 0 : i32
        %dma_wait3A_425 = arith.constant 0 : i32
        %dma_wait3A_426 = tpu.memref_slice %arg5[%dma_wait3A_424, %dma_wait3A_425] : memref<64x1000000xf32, #tpu.memory_space<hbm>> -> memref<64x128xf32, #tpu.memory_space<hbm>>
        tpu.wait_dma2 semaphore(%arg25 : memref<!tpu.dma_semaphore, #tpu.memory_space<semaphore_mem>>) src(%dma_wait3A_426 : memref<64x128xf32, #tpu.memory_space<hbm>>) dst(%arg15 : memref<64x128xf32, #tpu.memory_space<vmem>>)
        %and3A_427 = arith.constant 127 : i32
        %and3A_428 = arith.andi %squeeze3A_416, %and3A_427 : i32
        %broadcast_in_dim3A_429 = vector.broadcast %and3A_428 : i32 to vector<16xi32>
        %broadcast_in_dim3A_430 = vector.broadcast %add3A_420 : i32 to vector<16xi32>
        %gather3A_431 = tpu.vector_load_idx %arg15[%add3A_7, %broadcast_in_dim3A_429] : memref<64x128xf32, #tpu.memory_space<vmem>>[vector<16xi32>, vector<16xi32>], vector<16xf32>,
        tpu.vector_store_idx %arg19[%add3A_7, %broadcast_in_dim3A_430], %gather3A_431 : memref<64x128xf32, #tpu.memory_space<vmem>>[vector<16xi32>, vector<16xi32>], vector<16xf32>,
        %gather3A_432 = tpu.vector_load_idx %arg15[%add3A_10, %broadcast_in_dim3A_429] : memref<64x128xf32, #tpu.memory_space<vmem>>[vector<16xi32>, vector<16xi32>], vector<16xf32>,
        tpu.vector_store_idx %arg19[%add3A_10, %broadcast_in_dim3A_430], %gather3A_432 : memref<64x128xf32, #tpu.memory_space<vmem>>[vector<16xi32>, vector<16xi32>], vector<16xf32>,
        %gather3A_433 = tpu.vector_load_idx %arg15[%add3A_13, %broadcast_in_dim3A_429] : memref<64x128xf32, #tpu.memory_space<vmem>>[vector<16xi32>, vector<16xi32>], vector<16xf32>,
        tpu.vector_store_idx %arg19[%add3A_13, %broadcast_in_dim3A_430], %gather3A_433 : memref<64x128xf32, #tpu.memory_space<vmem>>[vector<16xi32>, vector<16xi32>], vector<16xf32>,
        %gather3A_434 = tpu.vector_load_idx %arg15[%add3A_16, %broadcast_in_dim3A_429] : memref<64x128xf32, #tpu.memory_space<vmem>>[vector<16xi32>, vector<16xi32>], vector<16xf32>,
        tpu.vector_store_idx %arg19[%add3A_16, %broadcast_in_dim3A_430], %gather3A_434 : memref<64x128xf32, #tpu.memory_space<vmem>>[vector<16xi32>, vector<16xi32>], vector<16xf32>,
        %slice3A_435 = vector.extract_strided_slice %get3A_104 {offsets = [13], sizes = [1], strides = [1]} : vector<16xi32> to vector<1xi32>
        %squeeze3A_436 = vector.extract %slice3A_435[0] : i32 from vector<1xi32>
        %add3A_437 = arith.constant 5 : i32
        %add3A_438 = arith.addi %mul3A_106, %add3A_437 : i32
        %add3A_439 = arith.constant 8 : i32
        %add3A_440 = arith.addi %add3A_438, %add3A_439 : i32
        %dma_wait3A_441 = arith.constant 0 : i32
        %dma_wait3A_442 = arith.constant 0 : i32
        %dma_wait3A_443 = tpu.memref_slice %arg5[%dma_wait3A_441, %dma_wait3A_442] : memref<64x1000000xf32, #tpu.memory_space<hbm>> -> memref<64x128xf32, #tpu.memory_space<hbm>>
        %dma_wait3A_444 = arith.constant 0 : i32
        %dma_wait3A_445 = arith.constant 0 : i32
        %dma_wait3A_446 = tpu.memref_slice %arg5[%dma_wait3A_444, %dma_wait3A_445] : memref<64x1000000xf32, #tpu.memory_space<hbm>> -> memref<64x128xf32, #tpu.memory_space<hbm>>
        tpu.wait_dma2 semaphore(%arg26 : memref<!tpu.dma_semaphore, #tpu.memory_space<semaphore_mem>>) src(%dma_wait3A_446 : memref<64x128xf32, #tpu.memory_space<hbm>>) dst(%arg16 : memref<64x128xf32, #tpu.memory_space<vmem>>)
        %and3A_447 = arith.constant 127 : i32
        %and3A_448 = arith.andi %squeeze3A_436, %and3A_447 : i32
        %broadcast_in_dim3A_449 = vector.broadcast %and3A_448 : i32 to vector<16xi32>
        %broadcast_in_dim3A_450 = vector.broadcast %add3A_440 : i32 to vector<16xi32>
        %gather3A_451 = tpu.vector_load_idx %arg16[%add3A_7, %broadcast_in_dim3A_449] : memref<64x128xf32, #tpu.memory_space<vmem>>[vector<16xi32>, vector<16xi32>], vector<16xf32>,
        tpu.vector_store_idx %arg19[%add3A_7, %broadcast_in_dim3A_450], %gather3A_451 : memref<64x128xf32, #tpu.memory_space<vmem>>[vector<16xi32>, vector<16xi32>], vector<16xf32>,
        %gather3A_452 = tpu.vector_load_idx %arg16[%add3A_10, %broadcast_in_dim3A_449] : memref<64x128xf32, #tpu.memory_space<vmem>>[vector<16xi32>, vector<16xi32>], vector<16xf32>,
        tpu.vector_store_idx %arg19[%add3A_10, %broadcast_in_dim3A_450], %gather3A_452 : memref<64x128xf32, #tpu.memory_space<vmem>>[vector<16xi32>, vector<16xi32>], vector<16xf32>,
        %gather3A_453 = tpu.vector_load_idx %arg16[%add3A_13, %broadcast_in_dim3A_449] : memref<64x128xf32, #tpu.memory_space<vmem>>[vector<16xi32>, vector<16xi32>], vector<16xf32>,
        tpu.vector_store_idx %arg19[%add3A_13, %broadcast_in_dim3A_450], %gather3A_453 : memref<64x128xf32, #tpu.memory_space<vmem>>[vector<16xi32>, vector<16xi32>], vector<16xf32>,
        %gather3A_454 = tpu.vector_load_idx %arg16[%add3A_16, %broadcast_in_dim3A_449] : memref<64x128xf32, #tpu.memory_space<vmem>>[vector<16xi32>, vector<16xi32>], vector<16xf32>,
        tpu.vector_store_idx %arg19[%add3A_16, %broadcast_in_dim3A_450], %gather3A_454 : memref<64x128xf32, #tpu.memory_space<vmem>>[vector<16xi32>, vector<16xi32>], vector<16xf32>,
        %slice3A_455 = vector.extract_strided_slice %get3A_104 {offsets = [14], sizes = [1], strides = [1]} : vector<16xi32> to vector<1xi32>
        %squeeze3A_456 = vector.extract %slice3A_455[0] : i32 from vector<1xi32>
        %add3A_457 = arith.constant 6 : i32
        %add3A_458 = arith.addi %mul3A_106, %add3A_457 : i32
        %add3A_459 = arith.constant 8 : i32
        %add3A_460 = arith.addi %add3A_458, %add3A_459 : i32
        %dma_wait3A_461 = arith.constant 0 : i32
        %dma_wait3A_462 = arith.constant 0 : i32
        %dma_wait3A_463 = tpu.memref_slice %arg5[%dma_wait3A_461, %dma_wait3A_462] : memref<64x1000000xf32, #tpu.memory_space<hbm>> -> memref<64x128xf32, #tpu.memory_space<hbm>>
        %dma_wait3A_464 = arith.constant 0 : i32
        %dma_wait3A_465 = arith.constant 0 : i32
        %dma_wait3A_466 = tpu.memref_slice %arg5[%dma_wait3A_464, %dma_wait3A_465] : memref<64x1000000xf32, #tpu.memory_space<hbm>> -> memref<64x128xf32, #tpu.memory_space<hbm>>
        tpu.wait_dma2 semaphore(%arg27 : memref<!tpu.dma_semaphore, #tpu.memory_space<semaphore_mem>>) src(%dma_wait3A_466 : memref<64x128xf32, #tpu.memory_space<hbm>>) dst(%arg17 : memref<64x128xf32, #tpu.memory_space<vmem>>)
        %and3A_467 = arith.constant 127 : i32
        %and3A_468 = arith.andi %squeeze3A_456, %and3A_467 : i32
        %broadcast_in_dim3A_469 = vector.broadcast %and3A_468 : i32 to vector<16xi32>
        %broadcast_in_dim3A_470 = vector.broadcast %add3A_460 : i32 to vector<16xi32>
        %gather3A_471 = tpu.vector_load_idx %arg17[%add3A_7, %broadcast_in_dim3A_469] : memref<64x128xf32, #tpu.memory_space<vmem>>[vector<16xi32>, vector<16xi32>], vector<16xf32>,
        tpu.vector_store_idx %arg19[%add3A_7, %broadcast_in_dim3A_470], %gather3A_471 : memref<64x128xf32, #tpu.memory_space<vmem>>[vector<16xi32>, vector<16xi32>], vector<16xf32>,
        %gather3A_472 = tpu.vector_load_idx %arg17[%add3A_10, %broadcast_in_dim3A_469] : memref<64x128xf32, #tpu.memory_space<vmem>>[vector<16xi32>, vector<16xi32>], vector<16xf32>,
        tpu.vector_store_idx %arg19[%add3A_10, %broadcast_in_dim3A_470], %gather3A_472 : memref<64x128xf32, #tpu.memory_space<vmem>>[vector<16xi32>, vector<16xi32>], vector<16xf32>,
        %gather3A_473 = tpu.vector_load_idx %arg17[%add3A_13, %broadcast_in_dim3A_469] : memref<64x128xf32, #tpu.memory_space<vmem>>[vector<16xi32>, vector<16xi32>], vector<16xf32>,
        tpu.vector_store_idx %arg19[%add3A_13, %broadcast_in_dim3A_470], %gather3A_473 : memref<64x128xf32, #tpu.memory_space<vmem>>[vector<16xi32>, vector<16xi32>], vector<16xf32>,
        %gather3A_474 = tpu.vector_load_idx %arg17[%add3A_16, %broadcast_in_dim3A_469] : memref<64x128xf32, #tpu.memory_space<vmem>>[vector<16xi32>, vector<16xi32>], vector<16xf32>,
        tpu.vector_store_idx %arg19[%add3A_16, %broadcast_in_dim3A_470], %gather3A_474 : memref<64x128xf32, #tpu.memory_space<vmem>>[vector<16xi32>, vector<16xi32>], vector<16xf32>,
        %slice3A_475 = vector.extract_strided_slice %get3A_104 {offsets = [15], sizes = [1], strides = [1]} : vector<16xi32> to vector<1xi32>
        %squeeze3A_476 = vector.extract %slice3A_475[0] : i32 from vector<1xi32>
        %add3A_477 = arith.constant 7 : i32
        %add3A_478 = arith.addi %mul3A_106, %add3A_477 : i32
        %add3A_479 = arith.constant 8 : i32
        %add3A_480 = arith.addi %add3A_478, %add3A_479 : i32
        %dma_wait3A_481 = arith.constant 0 : i32
        %dma_wait3A_482 = arith.constant 0 : i32
        %dma_wait3A_483 = tpu.memref_slice %arg5[%dma_wait3A_481, %dma_wait3A_482] : memref<64x1000000xf32, #tpu.memory_space<hbm>> -> memref<64x128xf32, #tpu.memory_space<hbm>>
        %dma_wait3A_484 = arith.constant 0 : i32
        %dma_wait3A_485 = arith.constant 0 : i32
        %dma_wait3A_486 = tpu.memref_slice %arg5[%dma_wait3A_484, %dma_wait3A_485] : memref<64x1000000xf32, #tpu.memory_space<hbm>> -> memref<64x128xf32, #tpu.memory_space<hbm>>
        tpu.wait_dma2 semaphore(%arg28 : memref<!tpu.dma_semaphore, #tpu.memory_space<semaphore_mem>>) src(%dma_wait3A_486 : memref<64x128xf32, #tpu.memory_space<hbm>>) dst(%arg18 : memref<64x128xf32, #tpu.memory_space<vmem>>)
        %and3A_487 = arith.constant 127 : i32
        %and3A_488 = arith.andi %squeeze3A_476, %and3A_487 : i32
        %broadcast_in_dim3A_489 = vector.broadcast %and3A_488 : i32 to vector<16xi32>
        %broadcast_in_dim3A_490 = vector.broadcast %add3A_480 : i32 to vector<16xi32>
        %gather3A_491 = tpu.vector_load_idx %arg18[%add3A_7, %broadcast_in_dim3A_489] : memref<64x128xf32, #tpu.memory_space<vmem>>[vector<16xi32>, vector<16xi32>], vector<16xf32>,
        tpu.vector_store_idx %arg19[%add3A_7, %broadcast_in_dim3A_490], %gather3A_491 : memref<64x128xf32, #tpu.memory_space<vmem>>[vector<16xi32>, vector<16xi32>], vector<16xf32>,
        %gather3A_492 = tpu.vector_load_idx %arg18[%add3A_10, %broadcast_in_dim3A_489] : memref<64x128xf32, #tpu.memory_space<vmem>>[vector<16xi32>, vector<16xi32>], vector<16xf32>,
        tpu.vector_store_idx %arg19[%add3A_10, %broadcast_in_dim3A_490], %gather3A_492 : memref<64x128xf32, #tpu.memory_space<vmem>>[vector<16xi32>, vector<16xi32>], vector<16xf32>,
        %gather3A_493 = tpu.vector_load_idx %arg18[%add3A_13, %broadcast_in_dim3A_489] : memref<64x128xf32, #tpu.memory_space<vmem>>[vector<16xi32>, vector<16xi32>], vector<16xf32>,
        tpu.vector_store_idx %arg19[%add3A_13, %broadcast_in_dim3A_490], %gather3A_493 : memref<64x128xf32, #tpu.memory_space<vmem>>[vector<16xi32>, vector<16xi32>], vector<16xf32>,
        %gather3A_494 = tpu.vector_load_idx %arg18[%add3A_16, %broadcast_in_dim3A_489] : memref<64x128xf32, #tpu.memory_space<vmem>>[vector<16xi32>, vector<16xi32>], vector<16xf32>,
        tpu.vector_store_idx %arg19[%add3A_16, %broadcast_in_dim3A_490], %gather3A_494 : memref<64x128xf32, #tpu.memory_space<vmem>>[vector<16xi32>, vector<16xi32>], vector<16xf32>,
      } else {
      }
    }
    %scan3A_97 = arith.constant 8 : i32
    %dma_wait3A = arith.constant 0 : i32
    %dma_wait3A_98 = arith.constant 0 : i32
    %dma_wait3A_99 = tpu.memref_slice %arg4[%dma_wait3A, %dma_wait3A_98] : memref<100000x128xf32, #tpu.memory_space<hbm>> -> memref<100000x128xf32, #tpu.memory_space<hbm>>
    tpu.wait_indirect_dma semaphore(%arg20 : memref<!tpu.dma_semaphore, #tpu.memory_space<semaphore_mem>>) src(%dma_wait3A_99 : memref<100000x128xf32, #tpu.memory_space<hbm>>) dst(%arg9 : memref<128x128xf32, #tpu.memory_space<vmem>>)
    "tpu.region"() ({
      %run_scoped3A = tpu.sem_alloc : memref<!tpu.dma_semaphore, #tpu.memory_space<semaphore_mem>>
      %dma_start3A_100 = arith.constant 0 : i32
      %dma_start3A_101 = tpu.memref_slice %arg6[%mul3A_2, %dma_start3A_100] : memref<4096x128xf32, #tpu.memory_space<hbm>> -> memref<128x128xf32, #tpu.memory_space<hbm>>
      %dma_start3A_102 = arith.constant 0 : i32
      %dma_start3A_103 = tpu.memref_slice %arg6[%mul3A_2, %dma_start3A_102] : memref<4096x128xf32, #tpu.memory_space<hbm>> -> memref<128x128xf32, #tpu.memory_space<hbm>>
      tpu.enqueue_dma source(%arg9 : memref<128x128xf32, #tpu.memory_space<vmem>>) target(%dma_start3A_103 : memref<128x128xf32, #tpu.memory_space<hbm>>) target_semaphore(%run_scoped3A : memref<!tpu.dma_semaphore, #tpu.memory_space<semaphore_mem>>)
      %dma_wait3A_104 = arith.constant 0 : i32
      %dma_wait3A_105 = tpu.memref_slice %arg6[%mul3A_2, %dma_wait3A_104] : memref<4096x128xf32, #tpu.memory_space<hbm>> -> memref<128x128xf32, #tpu.memory_space<hbm>>
      %dma_wait3A_106 = arith.constant 0 : i32
      %dma_wait3A_107 = tpu.memref_slice %arg6[%mul3A_2, %dma_wait3A_106] : memref<4096x128xf32, #tpu.memory_space<hbm>> -> memref<128x128xf32, #tpu.memory_space<hbm>>
      tpu.wait_dma2 semaphore(%run_scoped3A : memref<!tpu.dma_semaphore, #tpu.memory_space<semaphore_mem>>) src(%arg9 : memref<128x128xf32, #tpu.memory_space<vmem>>) dst(%dma_wait3A_107 : memref<128x128xf32, #tpu.memory_space<hbm>>)
      tpu.yield
    }) : () -> ()
    "tpu.region"() ({
      %run_scoped3A = tpu.sem_alloc : memref<!tpu.dma_semaphore, #tpu.memory_space<semaphore_mem>>
      %dma_start3A_100 = arith.constant 0 : i32
      %dma_start3A_101 = tpu.memref_slice %arg7[%dma_start3A_100, %mul3A_2] : memref<64x4096xf32, #tpu.memory_space<hbm>> -> memref<64x128xf32, #tpu.memory_space<hbm>>
      %dma_start3A_102 = arith.constant 0 : i32
      %dma_start3A_103 = tpu.memref_slice %arg7[%dma_start3A_102, %mul3A_2] : memref<64x4096xf32, #tpu.memory_space<hbm>> -> memref<64x128xf32, #tpu.memory_space<hbm>>
      tpu.enqueue_dma source(%arg19 : memref<64x128xf32, #tpu.memory_space<vmem>>) target(%dma_start3A_103 : memref<64x128xf32, #tpu.memory_space<hbm>>) target_semaphore(%run_scoped3A : memref<!tpu.dma_semaphore, #tpu.memory_space<semaphore_mem>>)
      %dma_wait3A_104 = arith.constant 0 : i32
      %dma_wait3A_105 = tpu.memref_slice %arg7[%dma_wait3A_104, %mul3A_2] : memref<64x4096xf32, #tpu.memory_space<hbm>> -> memref<64x128xf32, #tpu.memory_space<hbm>>
      %dma_wait3A_106 = arith.constant 0 : i32
      %dma_wait3A_107 = tpu.memref_slice %arg7[%dma_wait3A_106, %mul3A_2] : memref<64x4096xf32, #tpu.memory_space<hbm>> -> memref<64x128xf32, #tpu.memory_space<hbm>>
      tpu.wait_dma2 semaphore(%run_scoped3A : memref<!tpu.dma_semaphore, #tpu.memory_space<semaphore_mem>>) src(%arg19 : memref<64x128xf32, #tpu.memory_space<vmem>>) dst(%dma_wait3A_107 : memref<64x128xf32, #tpu.memory_space<hbm>>)
      tpu.yield
    }) : () -> ()
    return
  }
}

</mosaic_0001>

<sc_bundles>
// kernel: kernel.3.cloned.1.call-start
scs
__scs_entry_jumppad:
0x0: {  	(pc) =	sbr.rel $0x88, $3  }
0x1: {  	(tag) =	ssettag $0x0;
	lr =	simm.s32 $0x1  }
0x2: {  	[smem:$0x3F9D] =	sst lr;
	_ =	strace $0xD0000000  }
0x3: {  	_ = 	snop  }
0x4: {  	_ = 	snop  }
0x5: {  	_ = 	snop  }
0x6: {  	_ = 	snop  }
0x7: {  	_ = 	snop  }
__scs_overlays_trampoline_lowered:
0x8: {  	[smem:$0x3FAC] =	sst s0  }
0x9: {  	[smem:$0x3FAD] =	sst s1  }
0xa: {  	[smem:$0x3FAE] =	sst s2  }
0xb: {  	[smem:$0x3FAF] =	sst s3  }
0xc: {  	[smem:$0x3FB0] =	sst s4  }
0xd: {  	[smem:$0x3FB1] =	sst s5  }
0xe: {  	[smem:$0x3FB2] =	sst s6  }
0xf: {  	[smem:$0x3FB3] =	sst s7  }
0x10: {  	[smem:$0x3FB4] =	sst s8  }
0x11: {  	[smem:$0x3FB5] =	sst s9;
	s0 =	simm.s32 @!p0 $0x0  }
0x12: {  	s1 =	sld [smem:$0x3F9B];
	s0 =	simm.s32 @p0 $0x1  }
0x13: {  	[smem:$0x3FB6] =	sst s0;
	s0 =	simm.s32 @!p1 $0x0  }
0x14: {  	s2 =	sld [smem:$0x3F9A];
	s0 =	simm.s32 @p1 $0x1  }
0x15: {  	[smem:$0x3FB7] =	sst s0;
	s0 =	simm.s32 @!p2 $0x0  }
0x16: {  	s3 =	sld [smem:$0x3FDB];
	s0 =	simm.s32 @p2 $0x1  }
0x17: {  	s4 =	simm.s32 $0x1BF5;
	[smem:$0x3FB9] =	sst s0  }
0x18: {  	s0 =	sld [smem:$0x3F9C];
	_ =	swait.ge [sflag:s4], $0x0  }
0x19: {  	s7 =	sld [smem:$0x3F9D]  }
0x1a: {  	s8 =	sadd.s32 $0xFFFFE003, lr  }
0x1b: {  	s9 =	sadd.s32 $0xFFFFFEF7, lr;
	s5 =	simm.s32 $0xFFFFFFFF;
	p2 =	slt.u32 s8, $0xFFFFF086  }
0x1c: {  	p1 =	slt.u32 s9, $0xF7A;
	s5 =	simm.s32 @!p2 $0x0  }
0x1d: {  	s5 =	simm.s32 @p1 $0x1;
	p0 =	seq.s32 s7, s2  }
0x1e: {  	s7 =	smul.u32 @!p0 $0xF7A, s2;
	p2 =	seq.s32 @!p0 s5, $0x0  }
0x1f: {  	s9 =	smul.u32 $0xF7A, s1;
	s8 =	simm.s32 @!p0 $0x1BF5;
	p2 =	por !p2, p0  }
0x20: {  	[sflag:s8] =	ssyncset.s32 @!p0 $0xFFFFF086;
	s6 =	sadd.s32 @!p0 s3, s7;
	s7 =	simm.s32 @!p0 $0x108  }
0x21: {  	s3 =	sadd.s32 s3, s9;
	s6 =	sadd.s32 @!p0 $0x88, s6;
	s7 =	simm.s32 @p2 $0x1082  }
0x22: {  	[simem:s7], [sflag:s8] =	dma.local @!p0 [hbm:s6], $0xF7A  }
0x23: {  	s9 =	sor.u32 $0xD0000000, s2;
	s6 =	simm.s32 $0x108;
	_ =	swait.ge @!p0 [sflag:s8], $0x0  }
0x24: {  	s3 =	sadd.s32 $0x88, s3;
	s6 =	simm.s32 @!p1 $0x1082;
	[sflag:s4] =	ssyncset.s32 $0xFFFFF086  }
0x25: {  	[simem:s6], [sflag:s4] =	dma.local [hbm:s3], $0xF7A  }
0x26: {  	[smem:$0x3F9D] =	sst s1;
	(tag) =	ssettag s2;
	_ =	strace s9  }
0x27: {  	s1 =	sld [smem:$0x3FAD]  }
0x28: {  	s2 =	sld [smem:$0x3FAE]  }
0x29: {  	s4 =	sld [smem:$0x3FB0]  }
0x2a: {  	p0 =	seq.s32 s5, $0x0;
	s5 =	sld [smem:$0x3FB1]  }
0x2b: {  	s6 =	sld [smem:$0x3FB2]  }
0x2c: {  	s7 =	sld [smem:$0x3FB3]  }
0x2d: {  	s3 =	simm.s32 $0x108;
	s8 =	sld [smem:$0x3FB4]  }
0x2e: {  	s3 =	simm.s32 @!p0 $0x1082;
	s9 =	sld [smem:$0x3FB5]  }
0x2f: {  	lr =	sadd.s32 s0, s3;
	s0 =	sld [smem:$0x3FAC]  }
0x30: {  	s3 =	sld [smem:$0x3FAF]  }
0x31: {  	[smem:$0x3FB8] =	sst s10  }
0x32: {  	s10 =	sld [smem:$0x3FB6];
	_ =	sdelay $0x3  }
0x33: {  	p0 =	seq.s32 s10, $0x1;
	s10 =	sld [smem:$0x3FB8];
	_ =	sdelay $0x3  }
0x34: {  	[smem:$0x3FB8] =	sst s10  }
0x35: {  	s10 =	sld [smem:$0x3FB7];
	_ =	sdelay $0x3  }
0x36: {  	p1 =	seq.s32 s10, $0x1;
	s10 =	sld [smem:$0x3FB8];
	_ =	sdelay $0x3  }
0x37: {  	[smem:$0x3FB8] =	sst s10  }
0x38: {  	s10 =	sld [smem:$0x3FB9]  }
0x39: {  	_ = 	snop;
	(pc) =	sbr.ind lr, $3  }
0x3a: {  	_ = 	snop  }
0x3b: {  	_ = 	snop  }
0x3c: {  	p2 =	seq.s32 s10, $0x1;
	s10 =	sld [smem:$0x3FB8]  }
0x3d: {  	_ =	shalt  }
0x3e: {  	_ =	shalt  }
0x3f: {  	_ =	shalt  }
0x40: {  	_ =	shalt  }
0x41: {  	_ =	shalt  }
0x42: {  	_ =	shalt  }
0x43: {  	_ =	shalt  }
0x44: {  	_ =	shalt  }
0x45: {  	_ =	shalt  }
0x46: {  	_ =	shalt  }
0x47: {  	_ =	shalt  }
0x48: {  	_ =	shalt  }
0x49: {  	_ =	shalt  }
0x4a: {  	_ =	shalt  }
0x4b: {  	_ =	shalt  }
0x4c: {  	_ =	shalt  }
0x4d: {  	_ =	shalt  }
0x4e: {  	_ =	shalt  }
0x4f: {  	_ =	shalt  }
0x50: {  	_ =	shalt  }
0x51: {  	_ =	shalt  }
0x52: {  	_ =	shalt  }
0x53: {  	_ =	shalt  }
0x54: {  	_ =	shalt  }
0x55: {  	_ =	shalt  }
0x56: {  	_ =	shalt  }
0x57: {  	_ =	shalt  }
0x58: {  	_ =	shalt  }
0x59: {  	_ =	shalt  }
0x5a: {  	_ =	shalt  }
0x5b: {  	_ =	shalt  }
0x5c: {  	_ =	shalt  }
0x5d: {  	_ =	shalt  }
0x5e: {  	_ =	shalt  }
0x5f: {  	_ =	shalt  }
0x60: {  	_ =	shalt  }
0x61: {  	_ =	shalt  }
0x62: {  	_ =	shalt  }
0x63: {  	_ =	shalt  }
0x64: {  	_ =	shalt  }
0x65: {  	_ =	shalt  }
0x66: {  	_ =	shalt  }
0x67: {  	_ =	shalt  }
0x68: {  	_ =	shalt  }
0x69: {  	_ =	shalt  }
0x6a: {  	_ =	shalt  }
0x6b: {  	_ =	shalt  }
0x6c: {  	_ =	shalt  }
0x6d: {  	_ =	shalt  }
0x6e: {  	_ =	shalt  }
0x6f: {  	_ =	shalt  }
0x70: {  	_ =	shalt  }
0x71: {  	_ =	shalt  }
0x72: {  	_ =	shalt  }
0x73: {  	_ =	shalt  }
0x74: {  	_ =	shalt  }
0x75: {  	_ =	shalt  }
0x76: {  	_ =	shalt  }
0x77: {  	_ =	shalt  }
0x78: {  	_ =	shalt  }
0x79: {  	_ =	shalt  }
0x7a: {  	_ =	shalt  }
0x7b: {  	_ =	shalt  }
0x7c: {  	_ =	shalt  }
0x7d: {  	_ =	shalt  }
0x7e: {  	_ =	shalt  }
0x7f: {  	_ =	shalt  }
0x80: {  	_ =	shalt  }
0x81: {  	_ =	shalt  }
0x82: {  	_ =	shalt  }
0x83: {  	_ =	shalt  }
0x84: {  	_ =	shalt  }
0x85: {  	_ =	shalt  }
0x86: {  	_ =	shalt  }
0x87: {  	_ =	shalt  }
.Lfunc_end0:
.L_simem_size_0:
called_computation_lowered:
.L_overlay_start_0:
0x88: {  	s2 =	sld [smem:$0x3FD9]  }
0x89: {  	s3 =	sld [smem:$0x3FFE];
	_ =	sdelay $0x1  }
0x8a: {  	s1 =	srdreg.scid  }
0x8b: {  	s0 =	sand.u32 $0x1, s1  }
0x8c: {  	s15 =	sshll.u32 s0, $0xA;
	s2 =	sadd.s32 s3, s2  }
0x8d: {  	s2 =	sadd.s32 s2, s15  }
0x8e: {  	[smem:$0x3FC4] =	sst s2  }
0x8f: {  	_ = 	snop  }
0x90: {  	s2 =	sld [smem:$0x3FC9]  }
0x91: {  	s16 =	sld [smem:$0x3FD0]  }
0x92: {  	s4 =	sld [smem:$0x3FC8]  }
0x93: {  	s5 =	sld [smem:$0x3FC7]  }
0x94: {  	s7 =	simm.s32 $0xA;
	s8 =	simm.s32 $0x10;
	s6 =	sld [smem:$0x3FC6]  }
0x95: {  	[smem:s8], [sflag:s7] =	dma.local [hbm:s16], $0x1  }
0x96: {  	_ =	swait.eq [sflag:s7], $0x1  }
0x97: {  	[sflag:s7] =	ssyncset.done $0x0  }
0x98: {  	s17 =	sld [smem:$0x10];
	[sflag:s7] =	ssyncadd.s32 $0xFFFFFFFF  }
0x99: {  	s18 =	sld [smem:$0x11];
	(tm) =	ssettm $0x1  }
0x9a: {  	s19 =	sld [smem:$0x3FFB];
	_ =	sdelay $0x3  }
0x9b: {  	_ =	strace s19  }
0x9c: {  	s8 =	sld [smem:$0x3FFC];
	_ =	sdelay $0x3  }
0x9d: {  	_ =	strace s8  }
0x9e: {  	s8 =	sld [smem:$0x3FFD];
	_ =	sdelay $0x3  }
0x9f: {  	_ =	strace s8  }
0xa0: {  	_ =	strace $0x8FFFFFFF  }
0xa1: {  	s20 =	sld [smem:$0x3FDB];
	_ =	sdelay $0x1  }
0xa2: {  	s9 =	simm.s32 $_scs_section_size  }
0xa3: {  	s10 =	simm.s32 $_size__tile_overlayer_lowered;
	s11 =	simm.s32 $_tile_overlayer_lowered  }
0xa4: {  	s23 =	simm.s32 $0x1BFF;
	s22 =	sshll.u32 s11, $0x1;
	s8 =	sadd.s32 s9, s20  }
0xa5: {  	s12 =	simm.s32 $0x0;
	s21 =	sshll.u32 s10, $0x1;
	s10 =	sadd.s32 s22, s8  }
0xa6: {  	[timem:s12], [sflag:s23] =	dma.local [hbm:s10], s21  }
0xa7: {  	_ =	swait.ge [sflag:s23], s21  }
0xa8: {  	s9 =	ssub.s32 $0x0, s21;
	[sflag:s23] =	ssyncset.done $0x0  }
0xa9: {  	[sflag:s23] =	ssyncadd.s32 s9;
	_ =	sdelay $0x1  }
0xaa: {  	s24 =	simm.s32 $0x1B8B  }
0xab: {  	_ =	swait.ge [sflag:s24], $0x1  }
0xac: {  	[sflag:s24] =	ssyncset.done $0x0  }
0xad: {  	s25 =	simm.s32 $0x1B8E;
	[sflag:s24] =	ssyncadd.s32 $0xFFFFFFFF  }
0xae: {  	s26 =	simm.s32 $execute0_lowered;
	[smem:$0x3FD2] =	sst s25  }
0xaf: {  	s9 =	sshll.u32 s26, $0x1;
	_ =	strace $0x80000046;
	[dreg:$0x1] =	wrdreg $0xFFFFFFFF  }
0xb0: {  	s28 =	simm.s32 $_size_execute0_lowered;
	s8 =	sadd.s32 s8, s9;
	[dreg:$0x0] =	wrdreg $0x0  }
0xb1: {  	s9 =	sshll.u32 s28, $0x1;
	[dreg:$0x2] =	wrdreg s8  }
0xb2: {  	[dreg:$0x3] =	wrdreg s9  }
0xb3: {  	[dreg:$0x4] =	wrdreg $0xC0  }
0xb4: {  	_ =	task [dreg:s12], $0x5FFFF  }
0xb5: {  	[dreg:$0x1] =	wrdreg $0xFFFFFFFF  }
0xb6: {  	[dreg:$0x0] =	wrdreg $0x60  }
0xb7: {  	[dreg:$0x2] =	wrdreg s2  }
0xb8: {  	[dreg:$0x3] =	wrdreg s4  }
0xb9: {  	[dreg:$0x4] =	wrdreg s5  }
0xba: {  	[dreg:$0x5] =	wrdreg s6  }
0xbb: {  	[dreg:$0x6] =	wrdreg s17  }
0xbc: {  	[dreg:$0x7] =	wrdreg s18  }
0xbd: {  	[dreg:$0x8] =	wrdreg $0x9  }
0xbe: {  	_ =	task.clear_ibuf [dreg:s12], $0x9FFFF;
	_ =	strace $0x90000046  }
0xbf: {  	s29 =	simm.s32 $0x9;
	_ =	strace $0x80000048  }
0xc0: {  	_ =	swait.ge [sflag:s29], $0x1  }
0xc1: {  	[sflag:s29] =	ssyncadd.s32 $0xFFFFFFFF  }
0xc2: {  	_ =	strace $0x90000048  }
0xc3: {  	_ =	sfence  }
0xc4: {  	s30 =	sld [smem:$0x0];
	_ =	sdelay $0x2  }
0xc5: {  	s31 =	sshll.u32 s1, $0xD;
	s1 =	sshrl.u32 s1, $0x2  }
0xc6: {  	s3 =	sand.u32 $0x4000, s31;
	s1 =	sadd.s32 s1, s30  }
0xc7: {  	s0 =	sor.u32 s3, s0;
	s1 =	sshll.u32 s1, $0x11  }
0xc8: {  	s0 =	sor.u32 s1, s0  }
0xc9: {  	s0 =	sadd.s32 $0x8F2B, s0  }
0xca: {  	[sflag:s0] =	ssyncadd.remote.s32 $0x1  }
0xcb: {  	_ =	sfence.sel $0xFFFF  }
0xcc: {  	[dreg:$0x0] =	wrdreg $0xFFFFFFFF;
	(pc) =	sbr.abs _section_cstart, $3  }
0xcd: {  	[dreg:$0x1] =	wrdreg $0xFFFFFFFF  }
0xce: {  	_ =	task.clear_ibuf [dreg:s12], $0x2FFFF;
	_ =	strace $0x9FFFFFFF  }
0xcf: {  	(tm) =	ssettm $0x7FFFFFFF  }
tec
execute0_lowered:
.L_overlay_start_1:
0x0: {  	(tag) =	ssettag $0x1  }
0x1: {  	s0 =	rddreg [dreg:$0x0]  }
0x2: {  	s1 =	rddreg [dreg:$0x1]  }
0x3: {  	s2 =	rddreg [dreg:$0x3]  }
0x4: {  	s3 =	rddreg [dreg:$0x4]  }
0x5: {  	s4 =	rddreg [dreg:$0x5];
	s9 =	simm.s32 $0x0  }
0x6: {  	s5 =	srdreg.scid;
	s7 =	stileid.u32;
	s13 =	simm.s32 $0x7A1400  }
0x7: {  	s14 =	simm.s32 $0x400;
	s17 =	simm.s32 $0x8100;
	s18 =	simm.s32 $0xA100  }
0x8: {  	v0 =	vlaneseq.u32;
	s19 =	simm.s32 $0xC100;
	s20 =	simm.s32 $0xE100;
	s21 =	simm.s32 $0x10100  }
0x9: {  	s10 =	simm.s32 $0x4;
	s11 =	simm.s32 $0x5;
	s12 =	simm.s32 $0x6;
	v0 =	vmul.u32 $0x80, v0  }
0xa: {  	s15 =	simm.s32 $0x8;
	s16 =	simm.s32 $0x9;
	s29 =	simm.s32 $0x4  }
0xb: {  	s28 =	simm.s32 $0x3;
	s30 =	simm.s32 $0x5;
	s5 =	sand.u32 $0x1, s5;
	v1 =	vor.u32 $0x800, v0;
	v2 =	vor.u32 $0x1000, v0  }
0xc: {  	s31 =	simm.s32 $0x6;
	[smem:$0x7FF] =	sst s9;
	s6 =	ssub.s32 $0x2, s5;
	v3 =	vor.u32 $0x1800, v0;
	v4 =	vor.u32 $0x78, v0;
	v5 =	vor.u32 $0x878, v0  }
0xd: {  	s7 =	sshll.u32 s7, $0x8;
	s5 =	sshll.u32 s5, $0x7;
	s8 =	sshrl.u32 s6, $0x1;
	v6 =	vor.u32 $0x1078, v0;
	v7 =	vor.u32 $0x1878, v0;
	v8 =	vor.u32 $0x79, v0  }
0xe: {  	_ =	strace $0x80000047;
	s5 =	sor.u32 s5, s7;
	v9 =	vor.u32 $0x879, v0;
	v10 =	vor.u32 $0x1079, v0;
	v11 =	vor.u32 $0x1879, v0;
	s6 =	ssub.s32 s6, s8  }
0xf: {  	v12 =	vor.u32 $0x7A, v0;
	v13 =	vor.u32 $0x87A, v0;
	v14 =	vor.u32 $0x107A, v0;
	s7 =	sshrl.u32 s5, $0x3;
	s22 =	sshll.u32 s5, $0x4;
	s25 =	sadd.s32 s4, s5  }
0x10: {  	v15 =	vor.u32 $0x187A, v0;
	v16 =	vor.u32 $0x7B, v0;
	v17 =	vor.u32 $0x87B, v0;
	s5 =	simm.s32 $0x80;
	s8 =	simm.s32 $0x3;
	s4 =	simm.s32 $0x0  }
0x11: {  	v18 =	vor.u32 $0x107B, v0;
	v19 =	vor.u32 $0x187B, v0;
	v20 =	vor.u32 $0x7C, v0;
	s0 =	sadd.s32 s0, s7;
	s23 =	sadd.s32 s1, s7;
	[dreg:$0xa] =	wrdreg s25  }
.Ltmp0:
0x12: {  	v21 =	vor.u32 $0x87C, v0;
	v22 =	vor.u32 $0x107C, v0;
	v23 =	vor.u32 $0x187C, v0;
	s24 =	sadd.s32 s3, s22;
	[dreg:$0x7] =	wrdreg s0;
	(pc) =	sbr.rel .LBB2_1-.Ltmp0, $4  }
0x13: {  	v24 =	vor.u32 $0x7D, v0;
	v25 =	vor.u32 $0x87D, v0;
	v26 =	vor.u32 $0x107D, v0;
	s26 =	smax.u32 s6, $0x1;
	s3 =	simm.s32 $0xA;
	[dreg:$0x8] =	wrdreg s23  }
0x14: {  	v27 =	vor.u32 $0x187D, v0;
	v28 =	vor.u32 $0x7E, v0;
	v29 =	vor.u32 $0x87E, v0;
	s25 =	simm.s32 $0x6100;
	s22 =	simm.s32 $0x12100;
	[dreg:$0x9] =	wrdreg s24  }
0x15: {  	v30 =	vor.u32 $0x107E, v0;
	v31 =	vor.u32 $0x187E, v0;
	v32 =	vor.u32 $0x7F, v0;
	s6 =	simm.s32 $0x2;
	[dreg:$0xb] =	wrdreg s26;
	s23 =	simm.s32 $0x4100  }
0x16: {  	v33 =	vor.u32 $0x87F, v0;
	v34 =	vor.u32 $0x107F, v0;
	v35 =	vor.u32 $0x187F, v0;
	s24 =	simm.s32 $0x14100;
	s0 =	simm.s32 $0x7;
	s26 =	simm.s32 $0x2  }
.LBB2_4:
0x17: {  	_ = 	snop  }
0x18: {  	_ =	swait.ge [sflag:s26], $0x2000  }
0x19: {  	[sflag:s26] =	ssyncset.done $0x0  }
0x1a: {  	s23 =	simm.s32 $0x4100;
	[sflag:s26] =	ssyncadd.s32 $0xFFFFE000  }
0x1b: {  	v36 =	vld.idx.msk [tilespmem:v37+s23+$0x0], $0xffff  }
0x1c: {  	v50 =	vor.u32 s11, v1;
	_ =	sdelay $0x3  }
0x1d: {  	[tilespmem:v4+s24+$0x0] =	vst.idx.msk $0xffff, v36  }
0x1e: {  	v36 =	vld.idx.msk [tilespmem:v50+s23+$0x0], $0xffff  }
0x1f: {  	v51 =	vor.u32 s11, v2;
	_ =	sdelay $0x3  }
0x20: {  	[tilespmem:v5+s24+$0x0] =	vst.idx.msk $0xffff, v36  }
0x21: {  	v36 =	vld.idx.msk [tilespmem:v51+s23+$0x0], $0xffff  }
0x22: {  	v52 =	vor.u32 s11, v3;
	_ =	sdelay $0x3  }
0x23: {  	[tilespmem:v6+s24+$0x0] =	vst.idx.msk $0xffff, v36  }
0x24: {  	v36 =	vld.idx.msk [tilespmem:v52+s23+$0x0], $0xffff;
	_ =	sdelay $0x3  }
0x25: {  	v53 =	vor.u32 s4, v0  }
0x26: {  	[tilespmem:v7+s24+$0x0] =	vst.idx.msk $0xffff, v36  }
0x27: {  	_ =	swait.ge [sflag:s28], $0x2000  }
0x28: {  	[sflag:s28] =	ssyncset.done $0x0  }
0x29: {  	s25 =	simm.s32 $0x6100;
	[sflag:s28] =	ssyncadd.s32 $0xFFFFE000  }
0x2a: {  	v54 =	vld.idx.msk [tilespmem:v53+s25+$0x0], $0xffff  }
0x2b: {  	v55 =	vor.u32 s4, v1;
	_ =	sdelay $0x3  }
0x2c: {  	[tilespmem:v8+s24+$0x0] =	vst.idx.msk $0xffff, v54  }
0x2d: {  	v36 =	vld.idx.msk [tilespmem:v55+s25+$0x0], $0xffff  }
0x2e: {  	v56 =	vor.u32 s4, v2;
	_ =	sdelay $0x3  }
0x2f: {  	[tilespmem:v9+s24+$0x0] =	vst.idx.msk $0xffff, v36  }
0x30: {  	v36 =	vld.idx.msk [tilespmem:v56+s25+$0x0], $0xffff  }
0x31: {  	v57 =	vor.u32 s4, v3;
	_ =	sdelay $0x3  }
0x32: {  	[tilespmem:v10+s24+$0x0] =	vst.idx.msk $0xffff, v36  }
0x33: {  	v36 =	vld.idx.msk [tilespmem:v57+s25+$0x0], $0xffff;
	_ =	sdelay $0x3  }
0x34: {  	v58 =	vor.u32 s3, v0  }
0x35: {  	[tilespmem:v11+s24+$0x0] =	vst.idx.msk $0xffff, v36  }
0x36: {  	_ =	swait.ge [sflag:s29], $0x2000  }
0x37: {  	[sflag:s29] =	ssyncset.done $0x0  }
0x38: {  	[sflag:s29] =	ssyncadd.s32 $0xFFFFE000  }
0x39: {  	v59 =	vld.idx.msk [tilespmem:v58+s17+$0x0], $0xffff  }
0x3a: {  	v60 =	vor.u32 s3, v1;
	_ =	sdelay $0x3  }
0x3b: {  	[tilespmem:v12+s24+$0x0] =	vst.idx.msk $0xffff, v59  }
0x3c: {  	v36 =	vld.idx.msk [tilespmem:v60+s17+$0x0], $0xffff  }
0x3d: {  	v61 =	vor.u32 s3, v2;
	_ =	sdelay $0x3  }
0x3e: {  	[tilespmem:v13+s24+$0x0] =	vst.idx.msk $0xffff, v36  }
0x3f: {  	v36 =	vld.idx.msk [tilespmem:v61+s17+$0x0], $0xffff  }
0x40: {  	v62 =	vor.u32 s3, v3;
	_ =	sdelay $0x3  }
0x41: {  	[tilespmem:v14+s24+$0x0] =	vst.idx.msk $0xffff, v36  }
0x42: {  	v36 =	vld.idx.msk [tilespmem:v62+s17+$0x0], $0xffff;
	_ =	sdelay $0x3  }
0x43: {  	v63 =	vor.u32 s9, v0  }
0x44: {  	[tilespmem:v15+s24+$0x0] =	vst.idx.msk $0xffff, v36  }
0x45: {  	_ =	swait.ge [sflag:s30], $0x2000  }
0x46: {  	[sflag:s30] =	ssyncset.done $0x0  }
0x47: {  	[sflag:s30] =	ssyncadd.s32 $0xFFFFE000  }
0x48: {  	v40 =	vld.idx.msk [tilespmem:v63+s18+$0x0], $0xffff  }
0x49: {  	v41 =	vor.u32 s9, v1;
	_ =	sdelay $0x3  }
0x4a: {  	[tilespmem:v16+s24+$0x0] =	vst.idx.msk $0xffff, v40  }
0x4b: {  	v36 =	vld.idx.msk [tilespmem:v41+s18+$0x0], $0xffff  }
0x4c: {  	v42 =	vor.u32 s9, v2;
	_ =	sdelay $0x3  }
0x4d: {  	[tilespmem:v17+s24+$0x0] =	vst.idx.msk $0xffff, v36  }
0x4e: {  	v36 =	vld.idx.msk [tilespmem:v42+s18+$0x0], $0xffff  }
0x4f: {  	v43 =	vor.u32 s9, v3;
	_ =	sdelay $0x3  }
0x50: {  	[tilespmem:v18+s24+$0x0] =	vst.idx.msk $0xffff, v36  }
0x51: {  	v36 =	vld.idx.msk [tilespmem:v43+s18+$0x0], $0xffff;
	_ =	sdelay $0x3  }
0x52: {  	v44 =	vor.u32 s8, v0  }
0x53: {  	[tilespmem:v19+s24+$0x0] =	vst.idx.msk $0xffff, v36  }
0x54: {  	_ =	swait.ge [sflag:s31], $0x2000  }
0x55: {  	[sflag:s31] =	ssyncset.done $0x0  }
0x56: {  	[sflag:s31] =	ssyncadd.s32 $0xFFFFE000  }
0x57: {  	v45 =	vld.idx.msk [tilespmem:v44+s19+$0x0], $0xffff  }
0x58: {  	v46 =	vor.u32 s8, v1;
	_ =	sdelay $0x3  }
0x59: {  	[tilespmem:v20+s24+$0x0] =	vst.idx.msk $0xffff, v45  }
0x5a: {  	v36 =	vld.idx.msk [tilespmem:v46+s19+$0x0], $0xffff  }
0x5b: {  	v47 =	vor.u32 s8, v2;
	_ =	sdelay $0x3  }
0x5c: {  	[tilespmem:v21+s24+$0x0] =	vst.idx.msk $0xffff, v36  }
0x5d: {  	v36 =	vld.idx.msk [tilespmem:v47+s19+$0x0], $0xffff  }
0x5e: {  	v48 =	vor.u32 s8, v3;
	_ =	sdelay $0x3  }
0x5f: {  	[tilespmem:v22+s24+$0x0] =	vst.idx.msk $0xffff, v36  }
0x60: {  	v36 =	vld.idx.msk [tilespmem:v48+s19+$0x0], $0xffff;
	_ =	sdelay $0x3  }
0x61: {  	v49 =	vor.u32 s7, v0  }
0x62: {  	[tilespmem:v23+s24+$0x0] =	vst.idx.msk $0xffff, v36  }
0x63: {  	_ =	swait.ge [sflag:s0], $0x2000  }
0x64: {  	[sflag:s0] =	ssyncset.done $0x0  }
0x65: {  	[sflag:s0] =	ssyncadd.s32 $0xFFFFE000  }
0x66: {  	v50 =	vld.idx.msk [tilespmem:v49+s20+$0x0], $0xffff  }
0x67: {  	v51 =	vor.u32 s7, v1;
	_ =	sdelay $0x3  }
0x68: {  	[tilespmem:v24+s24+$0x0] =	vst.idx.msk $0xffff, v50  }
0x69: {  	v36 =	vld.idx.msk [tilespmem:v51+s20+$0x0], $0xffff  }
0x6a: {  	v52 =	vor.u32 s7, v2;
	_ =	sdelay $0x3  }
0x6b: {  	[tilespmem:v25+s24+$0x0] =	vst.idx.msk $0xffff, v36  }
0x6c: {  	v36 =	vld.idx.msk [tilespmem:v52+s20+$0x0], $0xffff  }
0x6d: {  	v53 =	vor.u32 s7, v3;
	_ =	sdelay $0x3  }
0x6e: {  	[tilespmem:v26+s24+$0x0] =	vst.idx.msk $0xffff, v36  }
0x6f: {  	v36 =	vld.idx.msk [tilespmem:v53+s20+$0x0], $0xffff;
	_ =	sdelay $0x3  }
0x70: {  	v54 =	vor.u32 s12, v0  }
0x71: {  	[tilespmem:v27+s24+$0x0] =	vst.idx.msk $0xffff, v36  }
0x72: {  	_ =	swait.ge [sflag:s15], $0x2000  }
0x73: {  	[sflag:s15] =	ssyncset.done $0x0  }
0x74: {  	[sflag:s15] =	ssyncadd.s32 $0xFFFFE000  }
0x75: {  	v55 =	vld.idx.msk [tilespmem:v54+s21+$0x0], $0xffff  }
0x76: {  	v56 =	vor.u32 s12, v1;
	_ =	sdelay $0x3  }
0x77: {  	[tilespmem:v28+s24+$0x0] =	vst.idx.msk $0xffff, v55  }
0x78: {  	v36 =	vld.idx.msk [tilespmem:v56+s21+$0x0], $0xffff  }
0x79: {  	v57 =	vor.u32 s12, v2;
	_ =	sdelay $0x3  }
0x7a: {  	[tilespmem:v29+s24+$0x0] =	vst.idx.msk $0xffff, v36  }
0x7b: {  	v36 =	vld.idx.msk [tilespmem:v57+s21+$0x0], $0xffff  }
0x7c: {  	v58 =	vor.u32 s12, v3;
	_ =	sdelay $0x3  }
0x7d: {  	[tilespmem:v30+s24+$0x0] =	vst.idx.msk $0xffff, v36  }
0x7e: {  	v36 =	vld.idx.msk [tilespmem:v58+s21+$0x0], $0xffff;
	_ =	sdelay $0x3  }
0x7f: {  	v59 =	vor.u32 s6, v0  }
0x80: {  	[tilespmem:v31+s24+$0x0] =	vst.idx.msk $0xffff, v36  }
0x81: {  	_ =	swait.ge [sflag:s16], $0x2000  }
0x82: {  	[sflag:s16] =	ssyncset.done $0x0  }
0x83: {  	[sflag:s16] =	ssyncadd.s32 $0xFFFFE000  }
0x84: {  	v60 =	vld.idx.msk [tilespmem:v59+s22+$0x0], $0xffff  }
0x85: {  	v61 =	vor.u32 s6, v1;
	_ =	sdelay $0x3  }
0x86: {  	[tilespmem:v32+s24+$0x0] =	vst.idx.msk $0xffff, v60  }
0x87: {  	v36 =	vld.idx.msk [tilespmem:v61+s22+$0x0], $0xffff  }
0x88: {  	v62 =	vor.u32 s6, v2;
	_ =	sdelay $0x3  }
0x89: {  	[tilespmem:v33+s24+$0x0] =	vst.idx.msk $0xffff, v36  }
0x8a: {  	v36 =	vld.idx.msk [tilespmem:v62+s22+$0x0], $0xffff  }
0x8b: {  	v63 =	vor.u32 s6, v3;
	_ =	sdelay $0x3  }
0x8c: {  	[tilespmem:v34+s24+$0x0] =	vst.idx.msk $0xffff, v36  }
0x8d: {  	v36 =	vld.idx.msk [tilespmem:v63+s22+$0x0], $0xffff;
	_ =	sdelay $0x4  }
0x8e: {  	s10 =	simm.s32 $0x1;
	[tilespmem:v35+s24+$0x0] =	vst.idx.msk $0xffff, v36  }
0x8f: {  	_ =	swait.ge [sflag:s10], $0x4000  }
0x90: {  	s9 =	simm.s32 $0x0;
	s5 =	simm.s32 $0x80;
	[sflag:s10] =	ssyncset.done $0x0  }
0x91: {  	s3 =	simm.s32 $0xA;
	s1 =	rddreg [dreg:$0x9];
	[sflag:s10] =	ssyncadd.s32 $0xFFFFC000  }
0x92: {  	[hbm4b:s1+s9] =	stream.linear.scatter [tilespmem:s5], [sflag:$0xA], $0x4000, $0x38;
	[tilespmem:$0x16100] =	vst v63  }
0x93: {  	_ =	swait.ge [sflag:s3], $0x4000  }
0x94: {  	[sflag:s3] =	ssyncset.done $0x0  }
0x95: {  	s12 =	simm.s32 $0x8000;
	s11 =	rddreg [dreg:$0xa];
	[sflag:s3] =	ssyncadd.s32 $0xFFFFC000  }
0x96: {  	[hbm4b:s11+s14] =	stream.strided.scatter [tilespmem:s24], [sflag:$0xA], $0x2000, s12, s14, $0x38;
	[tilespmem:$0x16100] =	vst v63  }
0x97: {  	_ =	swait.ge [sflag:s3], $0x2000  }
0x98: {  	s15 =	rddreg [dreg:$0xc]  }
0x99: {  	s16 =	rddreg [dreg:$0xb];
	s4 =	sadd.s32 $0x1, s15  }
0x9a: {  	p0 =	sne.s32 s4, s16  }
.Ltmp1:
0x9b: {  	_ = 	snop;
	(pc) =	sbr.rel @!p0 .LBB2_5-.Ltmp1, $4  }
0x9c: {  	s8 =	simm.s32 $0x3  }
0x9d: {  	s6 =	simm.s32 $0x2;
	s0 =	simm.s32 $0x7;
	s10 =	simm.s32 $0x4  }
0x9e: {  	s11 =	simm.s32 $0x5;
	s12 =	simm.s32 $0x6;
	[sflag:s3] =	ssyncset.done $0x0  }
0x9f: {  	[sflag:s3] =	ssyncadd.s32 $0xFFFFE000;
	s15 =	simm.s32 $0x8;
	s16 =	simm.s32 $0x9  }
.LBB2_1:
0xa0: {  	[dreg:$0xc] =	wrdreg s4  }
0xa1: {  	s1 =	rddreg [dreg:$0x7]  }
0xa2: {  	[tilespmem:s9], [sflag:$0xA] =	stream.linear.gather [hbm4b:s1+s9], $0x80, $0x38;
	[tilespmem:$0x16100] =	vst v63  }
0xa3: {  	_ =	swait.ge [sflag:s3], $0x80  }
0xa4: {  	[sflag:s3] =	ssyncset.done $0x0  }
0xa5: {  	s7 =	simm.s32 $0x4080;
	s4 =	rddreg [dreg:$0x8];
	[sflag:s3] =	ssyncadd.s32 $0xFFFFFF80  }
0xa6: {  	[tilespmem:s7], [sflag:$0xA] =	stream.linear.gather [hbm4b:s4+s9], $0x80, $0x38;
	[tilespmem:$0x16100] =	vst v63  }
0xa7: {  	_ =	swait.ge [sflag:s3], $0x80  }
0xa8: {  	[sflag:s3] =	ssyncset.done $0x0  }
0xa9: {  	[sflag:s3] =	ssyncadd.s32 $0xFFFFFF80  }
0xaa: {  	s3 =	rddreg [dreg:$0x2]  }
0xab: {  	[tilespmem:s5], [sflag:$0x1] =	stream.indirect.gather [hbm4b:s3+s5], $0x80, s9, s5, $0xb8;
	[tilespmem:$0x16100] =	vst v63  }
0xac: {  	v36 =	vld [tilespmem:$0x4080];
	_ =	sdelay $0x4  }
0xad: {  	(v2sf) =	vpush v36, $0x0  }
0xae: {  	(v2sf) =	vpush v36, $0x1;
	_ =	sdelay $0x1  }
0xaf: {  	(v2sf) =	vpush v36, $0x2;
	_ =	sdelay $0x4  }
0xb0: {  	(v2sf) =	vpush v36, $0x3  }
0xb1: {  	(v2sf) =	vpush v36, $0x4;
	_ =	sdelay $0x5  }
0xb2: {  	s4 =	spop (v2sf);
	(v2sf) =	vpush v36, $0x5  }
0xb3: {  	s5 =	spop (v2sf);
	(v2sf) =	vpush v36, $0x6  }
0xb4: {  	s1 =	sand.u32 $0xFFFFF80, s4  }
0xb5: {  	s1 =	sadd.s32 s2, s1;
	s7 =	spop (v2sf)  }
0xb6: {  	(v2sf) =	vpush v36, $0x7;
	[tilespmem:s23], [sflag:$0x2] =	stream.strided.gather [hbm4b:s1+s14], $0x2000, s13, s14, $0x38;
	[tilespmem:$0x16100] =	vst v63  }
0xb7: {  	s1 =	sand.u32 $0xFFFFF80, s5  }
0xb8: {  	s1 =	sadd.s32 s2, s1  }
0xb9: {  	[tilespmem:s25], [sflag:$0x3] =	stream.strided.gather [hbm4b:s1+s14], $0x2000, s13, s14, $0x38;
	[tilespmem:$0x16100] =	vst v63  }
0xba: {  	s9 =	spop (v2sf);
	s1 =	sand.u32 $0xFFFFF80, s7  }
0xbb: {  	s4 =	sand.u32 $0xFFFFF80, s9;
	s5 =	spop (v2sf);
	s1 =	sadd.s32 s2, s1  }
0xbc: {  	[tilespmem:s17], [sflag:$0x4] =	stream.strided.gather [hbm4b:s1+s14], $0x2000, s13, s14, $0x38;
	[tilespmem:$0x16100] =	vst v63  }
0xbd: {  	s7 =	sand.u32 $0xFFFFF80, s5;
	s1 =	sadd.s32 s2, s4  }
0xbe: {  	[tilespmem:s18], [sflag:$0x5] =	stream.strided.gather [hbm4b:s1+s14], $0x2000, s13, s14, $0x38;
	[tilespmem:$0x16100] =	vst v63  }
0xbf: {  	s1 =	sadd.s32 s2, s7  }
0xc0: {  	[tilespmem:s19], [sflag:$0x6] =	stream.strided.gather [hbm4b:s1+s14], $0x2000, s13, s14, $0x38;
	[tilespmem:$0x16100] =	vst v63  }
0xc1: {  	s9 =	spop (v2sf)  }
0xc2: {  	s4 =	sand.u32 $0xFFFFF80, s9;
	s5 =	spop (v2sf)  }
0xc3: {  	s1 =	sadd.s32 s2, s4;
	s7 =	sand.u32 $0xFFFFF80, s5  }
0xc4: {  	[tilespmem:s20], [sflag:$0x7] =	stream.strided.gather [hbm4b:s1+s14], $0x2000, s13, s14, $0x38;
	[tilespmem:$0x16100] =	vst v63  }
0xc5: {  	s9 =	spop (v2sf);
	s1 =	sadd.s32 s2, s7  }
0xc6: {  	[tilespmem:s21], [sflag:$0x8] =	stream.strided.gather [hbm4b:s1+s14], $0x2000, s13, s14, $0x38;
	[tilespmem:$0x16100] =	vst v63  }
0xc7: {  	s1 =	sand.u32 $0xFFFFF80, s9  }
0xc8: {  	s1 =	sadd.s32 s2, s1  }
0xc9: {  	[tilespmem:s22], [sflag:$0x9] =	stream.strided.gather [hbm4b:s1+s14], $0x2000, s13, s14, $0x38;
	[tilespmem:$0x16100] =	vst v63  }
0xca: {  	s5 =	simm.s32 $0x4090;
	s1 =	simm.s32 $0xF  }
.LBB2_2:
0xcb: {  	v36 =	vld [tilespmem:s5+$0xFFFFFFF0];
	_ =	sdelay $0x4  }
0xcc: {  	(v2sf) =	vpush v36, $0x0;
	_ =	sdelay $0xe  }
0xcd: {  	s3 =	spop (v2sf)  }
0xce: {  	s3 =	sand.u32 $0x7F, s3  }
0xcf: {  	s4 =	sadd.s32 $0xFFFFFFF1, s1;
	v37 =	vor.u32 s3, v0  }
0xd0: {  	v38 =	vmov s4  }
0xd1: {  	v38 =	vand.u32 $0x70, v38;
	_ =	swait.ge [sflag:s6], $0x2000  }
0xd2: {  	v38 =	vbroadcast v38, $0x0;
	[sflag:s6] =	ssyncset.done $0x0  }
0xd3: {  	[sflag:s6] =	ssyncadd.s32 $0xFFFFE000  }
0xd4: {  	v39 =	vor.u32 v0, v38;
	v37 =	vld.idx.msk [tilespmem:v37+s23+$0x0], $0xffff  }
0xd5: {  	v40 =	vor.u32 s3, v1;
	_ =	sdelay $0x3  }
0xd6: {  	(v2sf) =	vpush v36, $0x8;
	[tilespmem:v39+s24+$0x0] =	vst.idx.msk $0xffff, v37  }
0xd7: {  	v44 =	vor.u32 v1, v38;
	(v2sf) =	vpush v36, $0x1;
	v37 =	vld.idx.msk [tilespmem:v40+s23+$0x0], $0xffff  }
0xd8: {  	v45 =	vor.u32 s3, v2;
	_ =	sdelay $0x3  }
0xd9: {  	[tilespmem:v44+s24+$0x0] =	vst.idx.msk $0xffff, v37  }
0xda: {  	v46 =	vor.u32 v2, v38;
	v37 =	vld.idx.msk [tilespmem:v45+s23+$0x0], $0xffff  }
0xdb: {  	v47 =	vor.u32 s3, v3;
	_ =	sdelay $0x3  }
0xdc: {  	[tilespmem:v46+s24+$0x0] =	vst.idx.msk $0xffff, v37  }
0xdd: {  	v38 =	vor.u32 v3, v38;
	v37 =	vld.idx.msk [tilespmem:v47+s23+$0x0], $0xffff;
	_ =	sdelay $0x1  }
0xde: {  	s6 =	spop (v2sf)  }
0xdf: {  	s4 =	spop (v2sf)  }
0xe0: {  	s7 =	sand.u32 $0xFFFFF80, s6;
	s3 =	sand.u32 $0x7F, s4  }
0xe1: {  	s4 =	sadd.s32 s2, s7;
	s7 =	sadd.s32 $0xFFFFFFF2, s1;
	v48 =	vor.u32 s3, v0;
	[tilespmem:v38+s24+$0x0] =	vst.idx.msk $0xffff, v37  }
0xe2: {  	v49 =	vmov s7;
	[tilespmem:s23], [sflag:$0x2] =	stream.strided.gather [hbm4b:s4+s14], $0x2000, s13, s14, $0x38;
	[tilespmem:$0x16100] =	vst v63  }
0xe3: {  	v38 =	vand.u32 $0x71, v49;
	_ =	swait.ge [sflag:s8], $0x2000  }
0xe4: {  	v38 =	vbroadcast v38, $0x0;
	[sflag:s8] =	ssyncset.done $0x0  }
0xe5: {  	[sflag:s8] =	ssyncadd.s32 $0xFFFFE000  }
0xe6: {  	v50 =	vor.u32 v0, v38;
	v37 =	vld.idx.msk [tilespmem:v48+s25+$0x0], $0xffff  }
0xe7: {  	v51 =	vor.u32 s3, v1;
	_ =	sdelay $0x3  }
0xe8: {  	(v2sf) =	vpush v36, $0x9;
	[tilespmem:v50+s24+$0x0] =	vst.idx.msk $0xffff, v37  }
0xe9: {  	v52 =	vor.u32 v1, v38;
	(v2sf) =	vpush v36, $0x2;
	v37 =	vld.idx.msk [tilespmem:v51+s25+$0x0], $0xffff  }
0xea: {  	v53 =	vor.u32 s3, v2;
	_ =	sdelay $0x3  }
0xeb: {  	[tilespmem:v52+s24+$0x0] =	vst.idx.msk $0xffff, v37  }
0xec: {  	v54 =	vor.u32 v2, v38;
	v37 =	vld.idx.msk [tilespmem:v53+s25+$0x0], $0xffff  }
0xed: {  	v55 =	vor.u32 s3, v3;
	_ =	sdelay $0x3  }
0xee: {  	[tilespmem:v54+s24+$0x0] =	vst.idx.msk $0xffff, v37  }
0xef: {  	v38 =	vor.u32 v3, v38;
	v37 =	vld.idx.msk [tilespmem:v55+s25+$0x0], $0xffff;
	_ =	sdelay $0x1  }
0xf0: {  	s7 =	spop (v2sf)  }
0xf1: {  	s8 =	spop (v2sf)  }
0xf2: {  	s9 =	sand.u32 $0xFFFFF80, s7;
	s3 =	sand.u32 $0x7F, s8  }
0xf3: {  	s23 =	sadd.s32 $0xFFFFFFF3, s1;
	s4 =	sadd.s32 s2, s9;
	v56 =	vor.u32 s3, v0;
	[tilespmem:v38+s24+$0x0] =	vst.idx.msk $0xffff, v37  }
0xf4: {  	v57 =	vmov s23;
	[tilespmem:s25], [sflag:$0x3] =	stream.strided.gather [hbm4b:s4+s14], $0x2000, s13, s14, $0x38;
	[tilespmem:$0x16100] =	vst v63  }
0xf5: {  	v38 =	vand.u32 $0x72, v57;
	_ =	swait.ge [sflag:s10], $0x2000  }
0xf6: {  	v38 =	vbroadcast v38, $0x0;
	[sflag:s10] =	ssyncset.done $0x0  }
0xf7: {  	[sflag:s10] =	ssyncadd.s32 $0xFFFFE000  }
0xf8: {  	v58 =	vor.u32 v0, v38;
	v37 =	vld.idx.msk [tilespmem:v56+s17+$0x0], $0xffff  }
0xf9: {  	v59 =	vor.u32 s3, v1;
	_ =	sdelay $0x3  }
0xfa: {  	(v2sf) =	vpush v36, $0xA;
	[tilespmem:v58+s24+$0x0] =	vst.idx.msk $0xffff, v37  }
0xfb: {  	v60 =	vor.u32 v1, v38;
	(v2sf) =	vpush v36, $0x3;
	v37 =	vld.idx.msk [tilespmem:v59+s17+$0x0], $0xffff  }
0xfc: {  	v61 =	vor.u32 s3, v2;
	_ =	sdelay $0x3  }
0xfd: {  	[tilespmem:v60+s24+$0x0] =	vst.idx.msk $0xffff, v37  }
0xfe: {  	v62 =	vor.u32 v2, v38;
	v37 =	vld.idx.msk [tilespmem:v61+s17+$0x0], $0xffff  }
0xff: {  	v63 =	vor.u32 s3, v3;
	_ =	sdelay $0x3  }
0x100: {  	[tilespmem:v62+s24+$0x0] =	vst.idx.msk $0xffff, v37  }
0x101: {  	v38 =	vor.u32 v3, v38;
	v37 =	vld.idx.msk [tilespmem:v63+s17+$0x0], $0xffff;
	_ =	sdelay $0x1  }
0x102: {  	s8 =	spop (v2sf)  }
0x103: {  	s9 =	spop (v2sf)  }
0x104: {  	s10 =	sand.u32 $0xFFFFF80, s8;
	s3 =	sand.u32 $0x7F, s9  }
0x105: {  	s4 =	sadd.s32 s2, s10;
	s9 =	sadd.s32 $0xFFFFFFF4, s1;
	v43 =	vor.u32 s3, v0;
	[tilespmem:v38+s24+$0x0] =	vst.idx.msk $0xffff, v37  }
0x106: {  	v44 =	vmov s9;
	[tilespmem:s17], [sflag:$0x4] =	stream.strided.gather [hbm4b:s4+s14], $0x2000, s13, s14, $0x38;
	[tilespmem:$0x16100] =	vst v63  }
0x107: {  	v38 =	vand.u32 $0x73, v44;
	_ =	swait.ge [sflag:s11], $0x2000  }
0x108: {  	v38 =	vbroadcast v38, $0x0;
	[sflag:s11] =	ssyncset.done $0x0  }
0x109: {  	[sflag:s11] =	ssyncadd.s32 $0xFFFFE000  }
0x10a: {  	v45 =	vor.u32 v0, v38;
	v37 =	vld.idx.msk [tilespmem:v43+s18+$0x0], $0xffff  }
0x10b: {  	v46 =	vor.u32 s3, v1;
	_ =	sdelay $0x3  }
0x10c: {  	(v2sf) =	vpush v36, $0xB;
	[tilespmem:v45+s24+$0x0] =	vst.idx.msk $0xffff, v37  }
0x10d: {  	v47 =	vor.u32 v1, v38;
	(v2sf) =	vpush v36, $0x4;
	v37 =	vld.idx.msk [tilespmem:v46+s18+$0x0], $0xffff  }
0x10e: {  	v48 =	vor.u32 s3, v2;
	_ =	sdelay $0x3  }
0x10f: {  	[tilespmem:v47+s24+$0x0] =	vst.idx.msk $0xffff, v37  }
0x110: {  	v49 =	vor.u32 v2, v38;
	v37 =	vld.idx.msk [tilespmem:v48+s18+$0x0], $0xffff  }
0x111: {  	v50 =	vor.u32 s3, v3;
	_ =	sdelay $0x3  }
0x112: {  	[tilespmem:v49+s24+$0x0] =	vst.idx.msk $0xffff, v37  }
0x113: {  	v38 =	vor.u32 v3, v38;
	v37 =	vld.idx.msk [tilespmem:v50+s18+$0x0], $0xffff;
	_ =	sdelay $0x1  }
0x114: {  	s9 =	spop (v2sf)  }
0x115: {  	s11 =	spop (v2sf)  }
0x116: {  	s23 =	sand.u32 $0xFFFFF80, s9;
	s3 =	sand.u32 $0x7F, s11  }
0x117: {  	s25 =	sadd.s32 $0xFFFFFFF5, s1;
	s4 =	sadd.s32 s2, s23;
	v51 =	vor.u32 s3, v0;
	[tilespmem:v38+s24+$0x0] =	vst.idx.msk $0xffff, v37  }
0x118: {  	v52 =	vmov s25;
	[tilespmem:s18], [sflag:$0x5] =	stream.strided.gather [hbm4b:s4+s14], $0x2000, s13, s14, $0x38;
	[tilespmem:$0x16100] =	vst v63  }
0x119: {  	v38 =	vand.u32 $0x74, v52;
	_ =	swait.ge [sflag:s12], $0x2000  }
0x11a: {  	v38 =	vbroadcast v38, $0x0;
	[sflag:s12] =	ssyncset.done $0x0  }
0x11b: {  	[sflag:s12] =	ssyncadd.s32 $0xFFFFE000  }
0x11c: {  	v53 =	vor.u32 v0, v38;
	v37 =	vld.idx.msk [tilespmem:v51+s19+$0x0], $0xffff  }
0x11d: {  	v54 =	vor.u32 s3, v1;
	_ =	sdelay $0x3  }
0x11e: {  	(v2sf) =	vpush v36, $0xC;
	[tilespmem:v53+s24+$0x0] =	vst.idx.msk $0xffff, v37  }
0x11f: {  	v55 =	vor.u32 v1, v38;
	(v2sf) =	vpush v36, $0x5;
	v37 =	vld.idx.msk [tilespmem:v54+s19+$0x0], $0xffff  }
0x120: {  	v56 =	vor.u32 s3, v2;
	_ =	sdelay $0x3  }
0x121: {  	[tilespmem:v55+s24+$0x0] =	vst.idx.msk $0xffff, v37  }
0x122: {  	v57 =	vor.u32 v2, v38;
	v37 =	vld.idx.msk [tilespmem:v56+s19+$0x0], $0xffff  }
0x123: {  	v58 =	vor.u32 s3, v3;
	_ =	sdelay $0x3  }
0x124: {  	[tilespmem:v57+s24+$0x0] =	vst.idx.msk $0xffff, v37  }
0x125: {  	v38 =	vor.u32 v3, v38;
	v37 =	vld.idx.msk [tilespmem:v58+s19+$0x0], $0xffff;
	_ =	sdelay $0x1  }
0x126: {  	s12 =	spop (v2sf)  }
0x127: {  	s4 =	spop (v2sf)  }
0x128: {  	s10 =	sand.u32 $0xFFFFF80, s12;
	s3 =	sand.u32 $0x7F, s4  }
0x129: {  	s11 =	sadd.s32 $0xFFFFFFF6, s1;
	s4 =	sadd.s32 s2, s10;
	v59 =	vor.u32 s3, v0;
	[tilespmem:v38+s24+$0x0] =	vst.idx.msk $0xffff, v37  }
0x12a: {  	v60 =	vmov s11;
	[tilespmem:s19], [sflag:$0x6] =	stream.strided.gather [hbm4b:s4+s14], $0x2000, s13, s14, $0x38;
	[tilespmem:$0x16100] =	vst v63  }
0x12b: {  	v38 =	vand.u32 $0x75, v60;
	_ =	swait.ge [sflag:s0], $0x2000  }
0x12c: {  	v38 =	vbroadcast v38, $0x0;
	[sflag:s0] =	ssyncset.done $0x0  }
0x12d: {  	[sflag:s0] =	ssyncadd.s32 $0xFFFFE000  }
0x12e: {  	v61 =	vor.u32 v0, v38;
	v37 =	vld.idx.msk [tilespmem:v59+s20+$0x0], $0xffff  }
0x12f: {  	v62 =	vor.u32 s3, v1;
	_ =	sdelay $0x3  }
0x130: {  	(v2sf) =	vpush v36, $0xD;
	[tilespmem:v61+s24+$0x0] =	vst.idx.msk $0xffff, v37  }
0x131: {  	v63 =	vor.u32 v1, v38;
	(v2sf) =	vpush v36, $0x6;
	v37 =	vld.idx.msk [tilespmem:v62+s20+$0x0], $0xffff  }
0x132: {  	v44 =	vor.u32 s3, v2;
	_ =	sdelay $0x3  }
0x133: {  	[tilespmem:v63+s24+$0x0] =	vst.idx.msk $0xffff, v37  }
0x134: {  	v45 =	vor.u32 v2, v38;
	v37 =	vld.idx.msk [tilespmem:v44+s20+$0x0], $0xffff  }
0x135: {  	v46 =	vor.u32 s3, v3;
	_ =	sdelay $0x3  }
0x136: {  	[tilespmem:v45+s24+$0x0] =	vst.idx.msk $0xffff, v37  }
0x137: {  	v38 =	vor.u32 v3, v38;
	v37 =	vld.idx.msk [tilespmem:v46+s20+$0x0], $0xffff;
	_ =	sdelay $0x1  }
0x138: {  	s10 =	spop (v2sf)  }
0x139: {  	s23 =	spop (v2sf)  }
0x13a: {  	s25 =	sand.u32 $0xFFFFF80, s10;
	s3 =	sand.u32 $0x7F, s23  }
0x13b: {  	s0 =	sadd.s32 $0xFFFFFFF7, s1;
	s4 =	sadd.s32 s2, s25;
	v47 =	vor.u32 s3, v0;
	[tilespmem:v38+s24+$0x0] =	vst.idx.msk $0xffff, v37  }
0x13c: {  	v48 =	vmov s0;
	[tilespmem:s20], [sflag:$0x7] =	stream.strided.gather [hbm4b:s4+s14], $0x2000, s13, s14, $0x38;
	[tilespmem:$0x16100] =	vst v63  }
0x13d: {  	v38 =	vand.u32 $0x76, v48;
	_ =	swait.ge [sflag:s15], $0x2000  }
0x13e: {  	v38 =	vbroadcast v38, $0x0;
	[sflag:s15] =	ssyncset.done $0x0  }
0x13f: {  	[sflag:s15] =	ssyncadd.s32 $0xFFFFE000  }
0x140: {  	v49 =	vor.u32 v0, v38;
	v37 =	vld.idx.msk [tilespmem:v47+s21+$0x0], $0xffff  }
0x141: {  	v50 =	vor.u32 s3, v1;
	_ =	sdelay $0x3  }
0x142: {  	(v2sf) =	vpush v36, $0xE;
	[tilespmem:v49+s24+$0x0] =	vst.idx.msk $0xffff, v37  }
0x143: {  	v51 =	vor.u32 v1, v38;
	(v2sf) =	vpush v36, $0x7;
	v37 =	vld.idx.msk [tilespmem:v50+s21+$0x0], $0xffff  }
0x144: {  	v52 =	vor.u32 s3, v2;
	_ =	sdelay $0x3  }
0x145: {  	[tilespmem:v51+s24+$0x0] =	vst.idx.msk $0xffff, v37  }
0x146: {  	v53 =	vor.u32 v2, v38;
	v37 =	vld.idx.msk [tilespmem:v52+s21+$0x0], $0xffff  }
0x147: {  	v54 =	vor.u32 s3, v3;
	_ =	sdelay $0x3  }
0x148: {  	[tilespmem:v53+s24+$0x0] =	vst.idx.msk $0xffff, v37  }
0x149: {  	v38 =	vor.u32 v3, v38;
	v37 =	vld.idx.msk [tilespmem:v54+s21+$0x0], $0xffff;
	_ =	sdelay $0x1  }
0x14a: {  	s23 =	spop (v2sf)  }
0x14b: {  	s4 =	spop (v2sf)  }
0x14c: {  	s11 =	sand.u32 $0xFFFFF80, s23;
	s3 =	sand.u32 $0x7F, s4  }
0x14d: {  	s25 =	sadd.s32 $0xFFFFFFF8, s1;
	s4 =	sadd.s32 s2, s11;
	v55 =	vor.u32 s3, v0;
	[tilespmem:v38+s24+$0x0] =	vst.idx.msk $0xffff, v37  }
0x14e: {  	v56 =	vmov s25;
	[tilespmem:s21], [sflag:$0x8] =	stream.strided.gather [hbm4b:s4+s14], $0x2000, s13, s14, $0x38;
	[tilespmem:$0x16100] =	vst v63  }
0x14f: {  	v38 =	vand.u32 $0x77, v56;
	_ =	swait.ge [sflag:s16], $0x2000  }
0x150: {  	v38 =	vbroadcast v38, $0x0;
	[sflag:s16] =	ssyncset.done $0x0  }
0x151: {  	[sflag:s16] =	ssyncadd.s32 $0xFFFFE000  }
0x152: {  	v57 =	vor.u32 v0, v38;
	v37 =	vld.idx.msk [tilespmem:v55+s22+$0x0], $0xffff  }
0x153: {  	v58 =	vor.u32 s3, v1;
	_ =	sdelay $0x3  }
0x154: {  	[tilespmem:v57+s24+$0x0] =	vst.idx.msk $0xffff, v37  }
0x155: {  	v59 =	vor.u32 v1, v38;
	(v2sf) =	vpush v36, $0xF;
	v37 =	vld.idx.msk [tilespmem:v58+s22+$0x0], $0xffff  }
0x156: {  	v60 =	vor.u32 s3, v2;
	_ =	sdelay $0x3  }
0x157: {  	[tilespmem:v59+s24+$0x0] =	vst.idx.msk $0xffff, v37  }
0x158: {  	v61 =	vor.u32 v2, v38;
	v36 =	vld.idx.msk [tilespmem:v60+s22+$0x0], $0xffff  }
0x159: {  	v62 =	vor.u32 s3, v3;
	_ =	sdelay $0x3  }
0x15a: {  	[tilespmem:v61+s24+$0x0] =	vst.idx.msk $0xffff, v36  }
0x15b: {  	v63 =	vor.u32 v3, v38;
	v36 =	vld.idx.msk [tilespmem:v62+s22+$0x0], $0xffff  }
0x15c: {  	p0 =	seq.s32 s1, $0x7F  }
0x15d: {  	s9 =	sand.u32 $0x7F, s9;
	s0 =	simm.s32 $0x7;
	s15 =	simm.s32 $0x8  }
.Ltmp2:
0x15e: {  	s4 =	sand.u32 $0x7F, s7;
	s25 =	spop (v2sf);
	(pc) =	sbr.rel @p0 .LBB2_4-.Ltmp2, $4  }
0x15f: {  	s7 =	sand.u32 $0x7F, s10;
	s16 =	simm.s32 $0x9;
	s11 =	sand.u32 $0xFFFFF80, s25  }
0x160: {  	s3 =	sadd.s32 s2, s11;
	s11 =	sand.u32 $0x7F, s6;
	s6 =	sand.u32 $0x7F, s25;
	[tilespmem:v63+s24+$0x0] =	vst.idx.msk $0xffff, v36  }
0x161: {  	[tilespmem:s22], [sflag:$0x9] =	stream.strided.gather [hbm4b:s3+s14], $0x2000, s13, s14, $0x38;
	[tilespmem:$0x16100] =	vst v63  }
0x162: {  	v37 =	vor.u32 s11, v0;
	s3 =	sand.u32 $0x7F, s8;
	s8 =	sand.u32 $0x7F, s12;
	s12 =	sand.u32 $0x7F, s23  }
0x163: {  	s10 =	sadd.s32 $0xFFFFFFF9, s1  }
0x164: {  	v38 =	vmov s10  }
0x165: {  	v36 =	vld [tilespmem:s5+$0x0];
	_ =	swait.ge [sflag:s26], $0x2000;
	v38 =	vand.u32 $0x78, v38  }
0x166: {  	[sflag:s26] =	ssyncset.done $0x0;
	v38 =	vbroadcast v38, $0x0  }
0x167: {  	s23 =	simm.s32 $0x4100;
	[sflag:s26] =	ssyncadd.s32 $0xFFFFE000  }
0x168: {  	v37 =	vld.idx.msk [tilespmem:v37+s23+$0x0], $0xffff;
	v39 =	vor.u32 v0, v38  }
0x169: {  	v40 =	vor.u32 s11, v1;
	_ =	sdelay $0x3  }
0x16a: {  	[tilespmem:v39+s24+$0x0] =	vst.idx.msk $0xffff, v37  }
0x16b: {  	v44 =	vor.u32 v1, v38;
	(v2sf) =	vpush v36, $0x0;
	v37 =	vld.idx.msk [tilespmem:v40+s23+$0x0], $0xffff  }
0x16c: {  	v45 =	vor.u32 s11, v2;
	_ =	sdelay $0x3  }
0x16d: {  	[tilespmem:v44+s24+$0x0] =	vst.idx.msk $0xffff, v37  }
0x16e: {  	v46 =	vor.u32 v2, v38;
	v37 =	vld.idx.msk [tilespmem:v45+s23+$0x0], $0xffff  }
0x16f: {  	v47 =	vor.u32 s11, v3;
	_ =	sdelay $0x3  }
0x170: {  	[tilespmem:v46+s24+$0x0] =	vst.idx.msk $0xffff, v37  }
0x171: {  	v38 =	vor.u32 v3, v38;
	v37 =	vld.idx.msk [tilespmem:v47+s23+$0x0], $0xffff;
	_ =	sdelay $0x2  }
0x172: {  	s11 =	spop (v2sf)  }
0x173: {  	s10 =	sand.u32 $0xFFFFF80, s11  }
0x174: {  	s25 =	sadd.s32 $0xFFFFFFFA, s1;
	v48 =	vor.u32 s4, v0;
	s10 =	sadd.s32 s2, s10;
	[tilespmem:v38+s24+$0x0] =	vst.idx.msk $0xffff, v37  }
0x175: {  	v49 =	vmov s25;
	[tilespmem:s23], [sflag:$0x2] =	stream.strided.gather [hbm4b:s10+s14], $0x2000, s13, s14, $0x38;
	[tilespmem:$0x16100] =	vst v63  }
0x176: {  	v38 =	vand.u32 $0x79, v49;
	_ =	swait.ge [sflag:s28], $0x2000  }
0x177: {  	v38 =	vbroadcast v38, $0x0;
	[sflag:s28] =	ssyncset.done $0x0  }
0x178: {  	s25 =	simm.s32 $0x6100;
	[sflag:s28] =	ssyncadd.s32 $0xFFFFE000  }
0x179: {  	v50 =	vor.u32 v0, v38;
	v37 =	vld.idx.msk [tilespmem:v48+s25+$0x0], $0xffff  }
0x17a: {  	v51 =	vor.u32 s4, v1;
	_ =	sdelay $0x3  }
0x17b: {  	[tilespmem:v50+s24+$0x0] =	vst.idx.msk $0xffff, v37  }
0x17c: {  	v52 =	vor.u32 v1, v38;
	(v2sf) =	vpush v36, $0x1;
	v37 =	vld.idx.msk [tilespmem:v51+s25+$0x0], $0xffff  }
0x17d: {  	v53 =	vor.u32 s4, v2;
	_ =	sdelay $0x3  }
0x17e: {  	[tilespmem:v52+s24+$0x0] =	vst.idx.msk $0xffff, v37  }
0x17f: {  	v54 =	vor.u32 v2, v38;
	v37 =	vld.idx.msk [tilespmem:v53+s25+$0x0], $0xffff  }
0x180: {  	v55 =	vor.u32 s4, v3;
	_ =	sdelay $0x3  }
0x181: {  	[tilespmem:v54+s24+$0x0] =	vst.idx.msk $0xffff, v37  }
0x182: {  	v38 =	vor.u32 v3, v38;
	v37 =	vld.idx.msk [tilespmem:v55+s25+$0x0], $0xffff;
	_ =	sdelay $0x2  }
0x183: {  	s10 =	spop (v2sf)  }
0x184: {  	s4 =	sand.u32 $0xFFFFF80, s10  }
0x185: {  	v56 =	vor.u32 s3, v0;
	s11 =	sadd.s32 $0xFFFFFFFB, s1;
	s4 =	sadd.s32 s2, s4;
	[tilespmem:v38+s24+$0x0] =	vst.idx.msk $0xffff, v37  }
0x186: {  	v57 =	vmov s11;
	[tilespmem:s25], [sflag:$0x3] =	stream.strided.gather [hbm4b:s4+s14], $0x2000, s13, s14, $0x38;
	[tilespmem:$0x16100] =	vst v63  }
0x187: {  	v38 =	vand.u32 $0x7A, v57;
	_ =	swait.ge [sflag:s29], $0x2000  }
0x188: {  	v38 =	vbroadcast v38, $0x0;
	[sflag:s29] =	ssyncset.done $0x0  }
0x189: {  	[sflag:s29] =	ssyncadd.s32 $0xFFFFE000  }
0x18a: {  	v58 =	vor.u32 v0, v38;
	v37 =	vld.idx.msk [tilespmem:v56+s17+$0x0], $0xffff  }
0x18b: {  	v59 =	vor.u32 s3, v1;
	_ =	sdelay $0x3  }
0x18c: {  	[tilespmem:v58+s24+$0x0] =	vst.idx.msk $0xffff, v37  }
0x18d: {  	v60 =	vor.u32 v1, v38;
	(v2sf) =	vpush v36, $0x2;
	v37 =	vld.idx.msk [tilespmem:v59+s17+$0x0], $0xffff  }
0x18e: {  	v61 =	vor.u32 s3, v2;
	_ =	sdelay $0x3  }
0x18f: {  	[tilespmem:v60+s24+$0x0] =	vst.idx.msk $0xffff, v37  }
0x190: {  	v62 =	vor.u32 v2, v38;
	v37 =	vld.idx.msk [tilespmem:v61+s17+$0x0], $0xffff  }
0x191: {  	v63 =	vor.u32 s3, v3;
	_ =	sdelay $0x3  }
0x192: {  	[tilespmem:v62+s24+$0x0] =	vst.idx.msk $0xffff, v37  }
0x193: {  	v38 =	vor.u32 v3, v38;
	v37 =	vld.idx.msk [tilespmem:v63+s17+$0x0], $0xffff;
	_ =	sdelay $0x2  }
0x194: {  	s10 =	spop (v2sf)  }
0x195: {  	s3 =	sand.u32 $0xFFFFF80, s10  }
0x196: {  	v43 =	vor.u32 s9, v0;
	s11 =	sadd.s32 $0xFFFFFFFC, s1;
	s3 =	sadd.s32 s2, s3;
	[tilespmem:v38+s24+$0x0] =	vst.idx.msk $0xffff, v37  }
0x197: {  	v44 =	vmov s11;
	[tilespmem:s17], [sflag:$0x4] =	stream.strided.gather [hbm4b:s3+s14], $0x2000, s13, s14, $0x38;
	[tilespmem:$0x16100] =	vst v63  }
0x198: {  	v38 =	vand.u32 $0x7B, v44;
	_ =	swait.ge [sflag:s30], $0x2000  }
0x199: {  	v38 =	vbroadcast v38, $0x0;
	[sflag:s30] =	ssyncset.done $0x0  }
0x19a: {  	[sflag:s30] =	ssyncadd.s32 $0xFFFFE000  }
0x19b: {  	v45 =	vor.u32 v0, v38;
	v37 =	vld.idx.msk [tilespmem:v43+s18+$0x0], $0xffff  }
0x19c: {  	v46 =	vor.u32 s9, v1;
	_ =	sdelay $0x3  }
0x19d: {  	[tilespmem:v45+s24+$0x0] =	vst.idx.msk $0xffff, v37  }
0x19e: {  	v47 =	vor.u32 v1, v38;
	(v2sf) =	vpush v36, $0x3;
	v37 =	vld.idx.msk [tilespmem:v46+s18+$0x0], $0xffff  }
0x19f: {  	v48 =	vor.u32 s9, v2;
	_ =	sdelay $0x3  }
0x1a0: {  	[tilespmem:v47+s24+$0x0] =	vst.idx.msk $0xffff, v37  }
0x1a1: {  	v49 =	vor.u32 v2, v38;
	v37 =	vld.idx.msk [tilespmem:v48+s18+$0x0], $0xffff  }
0x1a2: {  	v50 =	vor.u32 s9, v3;
	_ =	sdelay $0x3  }
0x1a3: {  	[tilespmem:v49+s24+$0x0] =	vst.idx.msk $0xffff, v37  }
0x1a4: {  	v38 =	vor.u32 v3, v38;
	v37 =	vld.idx.msk [tilespmem:v50+s18+$0x0], $0xffff;
	_ =	sdelay $0x2  }
0x1a5: {  	s10 =	spop (v2sf)  }
0x1a6: {  	s3 =	sand.u32 $0xFFFFF80, s10  }
0x1a7: {  	s11 =	sadd.s32 $0xFFFFFFFD, s1;
	v51 =	vor.u32 s8, v0;
	s3 =	sadd.s32 s2, s3;
	[tilespmem:v38+s24+$0x0] =	vst.idx.msk $0xffff, v37  }
0x1a8: {  	v52 =	vmov s11;
	[tilespmem:s18], [sflag:$0x5] =	stream.strided.gather [hbm4b:s3+s14], $0x2000, s13, s14, $0x38;
	[tilespmem:$0x16100] =	vst v63  }
0x1a9: {  	v38 =	vand.u32 $0x7C, v52;
	_ =	swait.ge [sflag:s31], $0x2000  }
0x1aa: {  	v38 =	vbroadcast v38, $0x0;
	[sflag:s31] =	ssyncset.done $0x0  }
0x1ab: {  	[sflag:s31] =	ssyncadd.s32 $0xFFFFE000  }
0x1ac: {  	v53 =	vor.u32 v0, v38;
	v37 =	vld.idx.msk [tilespmem:v51+s19+$0x0], $0xffff  }
0x1ad: {  	v54 =	vor.u32 s8, v1;
	_ =	sdelay $0x3  }
0x1ae: {  	[tilespmem:v53+s24+$0x0] =	vst.idx.msk $0xffff, v37  }
0x1af: {  	v55 =	vor.u32 v1, v38;
	(v2sf) =	vpush v36, $0x4;
	v37 =	vld.idx.msk [tilespmem:v54+s19+$0x0], $0xffff  }
0x1b0: {  	v56 =	vor.u32 s8, v2;
	_ =	sdelay $0x3  }
0x1b1: {  	[tilespmem:v55+s24+$0x0] =	vst.idx.msk $0xffff, v37  }
0x1b2: {  	v57 =	vor.u32 v2, v38;
	v37 =	vld.idx.msk [tilespmem:v56+s19+$0x0], $0xffff  }
0x1b3: {  	v58 =	vor.u32 s8, v3;
	_ =	sdelay $0x3  }
0x1b4: {  	[tilespmem:v57+s24+$0x0] =	vst.idx.msk $0xffff, v37  }
0x1b5: {  	v38 =	vor.u32 v3, v38;
	v37 =	vld.idx.msk [tilespmem:v58+s19+$0x0], $0xffff;
	_ =	sdelay $0x2  }
0x1b6: {  	s8 =	spop (v2sf)  }
0x1b7: {  	s3 =	sand.u32 $0xFFFFF80, s8  }
0x1b8: {  	s9 =	sadd.s32 $0xFFFFFFFE, s1;
	v59 =	vor.u32 s7, v0;
	s3 =	sadd.s32 s2, s3;
	[tilespmem:v38+s24+$0x0] =	vst.idx.msk $0xffff, v37  }
0x1b9: {  	v60 =	vmov s9;
	[tilespmem:s19], [sflag:$0x6] =	stream.strided.gather [hbm4b:s3+s14], $0x2000, s13, s14, $0x38;
	[tilespmem:$0x16100] =	vst v63  }
0x1ba: {  	v38 =	vand.u32 $0x7D, v60;
	_ =	swait.ge [sflag:s0], $0x2000  }
0x1bb: {  	v38 =	vbroadcast v38, $0x0;
	[sflag:s0] =	ssyncset.done $0x0  }
0x1bc: {  	[sflag:s0] =	ssyncadd.s32 $0xFFFFE000  }
0x1bd: {  	v61 =	vor.u32 v0, v38;
	v37 =	vld.idx.msk [tilespmem:v59+s20+$0x0], $0xffff  }
0x1be: {  	v62 =	vor.u32 s7, v1;
	_ =	sdelay $0x3  }
0x1bf: {  	[tilespmem:v61+s24+$0x0] =	vst.idx.msk $0xffff, v37  }
0x1c0: {  	v63 =	vor.u32 v1, v38;
	(v2sf) =	vpush v36, $0x5;
	v37 =	vld.idx.msk [tilespmem:v62+s20+$0x0], $0xffff  }
0x1c1: {  	v44 =	vor.u32 s7, v2;
	_ =	sdelay $0x3  }
0x1c2: {  	[tilespmem:v63+s24+$0x0] =	vst.idx.msk $0xffff, v37  }
0x1c3: {  	v45 =	vor.u32 v2, v38;
	v37 =	vld.idx.msk [tilespmem:v44+s20+$0x0], $0xffff  }
0x1c4: {  	v46 =	vor.u32 s7, v3;
	_ =	sdelay $0x3  }
0x1c5: {  	[tilespmem:v45+s24+$0x0] =	vst.idx.msk $0xffff, v37  }
0x1c6: {  	v38 =	vor.u32 v3, v38;
	v37 =	vld.idx.msk [tilespmem:v46+s20+$0x0], $0xffff;
	_ =	sdelay $0x2  }
0x1c7: {  	s10 =	spop (v2sf)  }
0x1c8: {  	s3 =	sand.u32 $0xFFFFF80, s10  }
0x1c9: {  	s11 =	sadd.s32 $0xFFFFFFFF, s1;
	v47 =	vor.u32 s12, v0;
	s3 =	sadd.s32 s2, s3;
	[tilespmem:v38+s24+$0x0] =	vst.idx.msk $0xffff, v37  }
0x1ca: {  	v48 =	vmov s11;
	[tilespmem:s20], [sflag:$0x7] =	stream.strided.gather [hbm4b:s3+s14], $0x2000, s13, s14, $0x38;
	[tilespmem:$0x16100] =	vst v63  }
0x1cb: {  	v38 =	vand.u32 $0x7E, v48;
	_ =	swait.ge [sflag:s15], $0x2000  }
0x1cc: {  	v38 =	vbroadcast v38, $0x0;
	[sflag:s15] =	ssyncset.done $0x0  }
0x1cd: {  	[sflag:s15] =	ssyncadd.s32 $0xFFFFE000  }
0x1ce: {  	v49 =	vor.u32 v0, v38;
	v37 =	vld.idx.msk [tilespmem:v47+s21+$0x0], $0xffff  }
0x1cf: {  	v50 =	vor.u32 s12, v1;
	_ =	sdelay $0x3  }
0x1d0: {  	[tilespmem:v49+s24+$0x0] =	vst.idx.msk $0xffff, v37  }
0x1d1: {  	v51 =	vor.u32 v1, v38;
	(v2sf) =	vpush v36, $0x6;
	v37 =	vld.idx.msk [tilespmem:v50+s21+$0x0], $0xffff  }
0x1d2: {  	v52 =	vor.u32 s12, v2;
	_ =	sdelay $0x3  }
0x1d3: {  	[tilespmem:v51+s24+$0x0] =	vst.idx.msk $0xffff, v37  }
0x1d4: {  	v53 =	vor.u32 v2, v38;
	v37 =	vld.idx.msk [tilespmem:v52+s21+$0x0], $0xffff  }
0x1d5: {  	v54 =	vor.u32 s12, v3;
	_ =	sdelay $0x3  }
0x1d6: {  	[tilespmem:v53+s24+$0x0] =	vst.idx.msk $0xffff, v37  }
0x1d7: {  	v38 =	vor.u32 v3, v38;
	v37 =	vld.idx.msk [tilespmem:v54+s21+$0x0], $0xffff;
	_ =	sdelay $0x2  }
0x1d8: {  	s15 =	spop (v2sf)  }
0x1d9: {  	s3 =	sand.u32 $0xFFFFF80, s15  }
0x1da: {  	v55 =	vor.u32 s6, v0;
	s3 =	sadd.s32 s2, s3;
	[tilespmem:v38+s24+$0x0] =	vst.idx.msk $0xffff, v37  }
0x1db: {  	v56 =	vmov s1;
	[tilespmem:s21], [sflag:$0x8] =	stream.strided.gather [hbm4b:s3+s14], $0x2000, s13, s14, $0x38;
	[tilespmem:$0x16100] =	vst v63  }
0x1dc: {  	v38 =	vand.u32 $0x7F, v56;
	_ =	swait.ge [sflag:s16], $0x2000  }
0x1dd: {  	v38 =	vbroadcast v38, $0x0;
	[sflag:s16] =	ssyncset.done $0x0  }
0x1de: {  	[sflag:s16] =	ssyncadd.s32 $0xFFFFE000  }
0x1df: {  	v57 =	vor.u32 v0, v38;
	v37 =	vld.idx.msk [tilespmem:v55+s22+$0x0], $0xffff  }
0x1e0: {  	v58 =	vor.u32 s6, v1;
	_ =	sdelay $0x3  }
0x1e1: {  	[tilespmem:v57+s24+$0x0] =	vst.idx.msk $0xffff, v37  }
0x1e2: {  	v59 =	vor.u32 v1, v38;
	(v2sf) =	vpush v36, $0x7;
	v37 =	vld.idx.msk [tilespmem:v58+s22+$0x0], $0xffff  }
0x1e3: {  	v60 =	vor.u32 s6, v2;
	_ =	sdelay $0x3  }
0x1e4: {  	[tilespmem:v59+s24+$0x0] =	vst.idx.msk $0xffff, v37  }
0x1e5: {  	v61 =	vor.u32 v2, v38;
	v36 =	vld.idx.msk [tilespmem:v60+s22+$0x0], $0xffff  }
0x1e6: {  	v62 =	vor.u32 s6, v3;
	_ =	sdelay $0x3  }
0x1e7: {  	[tilespmem:v61+s24+$0x0] =	vst.idx.msk $0xffff, v36  }
0x1e8: {  	v63 =	vor.u32 v3, v38;
	v36 =	vld.idx.msk [tilespmem:v62+s22+$0x0], $0xffff  }
0x1e9: {  	s5 =	sadd.s32 $0x10, s5;
	s11 =	simm.s32 $0x5  }
.Ltmp3:
0x1ea: {  	s12 =	simm.s32 $0x6;
	s1 =	sadd.s32 $0x10, s1;
	(pc) =	sbr.rel .LBB2_2-.Ltmp3, $4  }
0x1eb: {  	s8 =	simm.s32 $0x3;
	s0 =	simm.s32 $0x7;
	s16 =	spop (v2sf)  }
0x1ec: {  	s6 =	simm.s32 $0x2;
	s10 =	simm.s32 $0x4;
	s3 =	sand.u32 $0xFFFFF80, s16  }
0x1ed: {  	s15 =	simm.s32 $0x8;
	s16 =	simm.s32 $0x9;
	s3 =	sadd.s32 s2, s3;
	[tilespmem:v63+s24+$0x0] =	vst.idx.msk $0xffff, v36  }
0x1ee: {  	[tilespmem:s22], [sflag:$0x9] =	stream.strided.gather [hbm4b:s3+s14], $0x2000, s13, s14, $0x38;
	[tilespmem:$0x16100] =	vst v63  }
.LBB2_5:
0x1ef: {  	_ =	sfence.sel $0x180000  }
0x1f0: {  	[bflag:$0x0] =	sbarrier.arrive $0xFFFF  }
0x1f1: {  	_ =	strace $0x90000047  }
0x1f2: {  	s0 =	stileid.u32;
	[bflag:$0x2] =	sbarrier.arrive $0xFFFF  }
0x1f3: {  	p0 =	sne.s32 s0, $0x0;
	s0 =	rddreg [dreg:$0x6]  }
0x1f4: {  	s0 =	sadd.s32 @!p0 $0x100000, s0  }
0x1f5: {  	[sflag:s0] =	ssyncadd.tile.s32 @!p0 $0x1;
	_ =	shalt  }
.Lfunc_end2:
_tile_overlayer_lowered:
.L_overlay_start_2:
0x1f6: {  	(tag) =	ssettag $0x2  }
0x1f7: {  	s0 =	rddreg [dreg:$0x0];
	s2 =	stileid.u32  }
0x1f8: {  	s1 =	rddreg [dreg:$0x1];
	p0 =	sne.s32 s2, $0x0  }
0x1f9: {  	s3 =	rddreg [dreg:$0x2];
	[bflag:$0x3] =	sbarrier.arrive $0xFFFF;
	s2 =	simm.s32 @!p0 $0x1C0A  }
0x1fa: {  	[timem:s3], [sflag:s2] =	dma.local @!p0 [hbm:s0], s1  }
0x1fb: {  	s0 =	simm.s32 @!p0 $0xA  }
0x1fc: {  	_ =	swait.ge @!p0 [sflag:s0], s1  }
0x1fd: {  	s1 =	ssub.s32 @!p0 $0x0, s1;
	[sflag:s0] =	ssyncset.done @!p0 $0x0  }
0x1fe: {  	[sflag:s0] =	ssyncadd.s32 @!p0 s1  }
0x1ff: {  	[bflag:$0x3] =	sbarrier.arrive $0xFFFF  }
0x200: {  	_ =	shalt  }

</sc_bundles>
